<compile_context>
chip_gen: v7x
topology: tpu7x:2x2x1
jax: 0.10.2.dev20260603
libtpu: 0.0.44.dev20260713+nightly
codegen_flags: <defaults>
</compile_context>

<pallas_src>
import math

import jax
import jax.numpy as jnp
from jax import lax
from jax.experimental import pallas as pl
from jax.experimental.pallas import tpu as pltpu
from jax.experimental.pallas import tpu_sc as plsc

VOCAB = 1000000
EMBED = 64
WINDOW = 200
BATCH = 4096

NC, NS, LANES = 2, 16, 16
NW = NC * NS
SEQ_PER_W = BATCH // NW
ROWS = WINDOW
G0 = 128
G1 = ROWS - G0
VECS_PER_ROW = EMBED // LANES
SCALE = math.sqrt(EMBED)


def _body(x_hbm, table_hbm, pe_hbm, out_hbm,
          idx_v, pe_v, rows0, rows1, out0, out1,
          gsem0, gsem1, wsem0, wsem1):
    wid = lax.axis_index("s") * NC + lax.axis_index("c")
    seq0 = wid * SEQ_PER_W

    pltpu.sync_copy(pe_hbm, pe_v)
    pltpu.sync_copy(x_hbm.at[pl.ds(seq0 * WINDOW, SEQ_PER_W * WINDOW)], idx_v)

    bufs = ((rows0, out0, gsem0, wsem0), (rows1, out1, gsem1, wsem1))

    def start_gather(c, rows_b, gsem_b):
        off = c * ROWS
        pltpu.async_copy(table_hbm.at[idx_v.at[pl.ds(off, ROWS)]],
                         rows_b, gsem_b)

    def wait_gather(c, rows_b, gsem_b):
        off = c * ROWS
        pltpu.make_async_copy(table_hbm.at[idx_v.at[pl.ds(off, ROWS)]],
                              rows_b, gsem_b).wait()

    for b, (rows_b, out_b, gsem_b, wsem_b) in enumerate(bufs):
        start_gather(b, rows_b, gsem_b)

    def step(j, _):
        for b, (rows_b, out_b, gsem_b, wsem_b) in enumerate(bufs):
            c = 2 * j + b
            wait_gather(c, rows_b, gsem_b)

            @pl.when(j >= 1)
            def _():
                pltpu.make_async_copy(
                    out_b, out_hbm.at[seq0 + c - 2], wsem_b).wait()

            def row_step(r, _):
                for k in range(VECS_PER_ROW):
                    sl = pl.ds(k * LANES, LANES)
                    out_b[r, sl] = (rows_b[r, sl] * SCALE
                                    + pe_v[r, sl])
                return ()

            lax.fori_loop(0, ROWS, row_step, (), unroll=4)

            @pl.when(c + 2 < SEQ_PER_W)
            def _():
                start_gather(c + 2, rows_b, gsem_b)

            pltpu.async_copy(out_b, out_hbm.at[seq0 + c], wsem_b)
        return ()

    lax.fori_loop(0, SEQ_PER_W // 2, step, (), unroll=False)

    for b, (rows_b, out_b, gsem_b, wsem_b) in enumerate(bufs):
        c = SEQ_PER_W - 2 + b
        pltpu.make_async_copy(out_b, out_hbm.at[seq0 + c], wsem_b).wait()


def kernel(x, table, pos_encoding):
    xf = x.reshape(BATCH * WINDOW)
    pe = pos_encoding[:WINDOW, :]

    mesh = plsc.VectorSubcoreMesh(
        core_axis_name="c", subcore_axis_name="s",
        num_cores=NC, num_subcores=NS)

    out = pl.kernel(
        _body,
        out_type=jax.ShapeDtypeStruct((BATCH, WINDOW, EMBED), jnp.float32),
        mesh=mesh,
        compiler_params=pltpu.CompilerParams(use_tc_tiling_on_sc=False),
        scratch_types=[
            pltpu.VMEM((SEQ_PER_W * WINDOW,), jnp.int32),
            pltpu.VMEM((WINDOW, EMBED), jnp.float32),
            pltpu.VMEM((ROWS, EMBED), jnp.float32),
            pltpu.VMEM((ROWS, EMBED), jnp.float32),
            pltpu.VMEM((ROWS, EMBED), jnp.float32),
            pltpu.VMEM((ROWS, EMBED), jnp.float32),
            pltpu.SemaphoreType.DMA,
            pltpu.SemaphoreType.DMA,
            pltpu.SemaphoreType.DMA,
            pltpu.SemaphoreType.DMA,
        ],
    )(xf, table, pe)
    return out

# --- scband reference (transcript-rebuilt; emitter-appended) ---
"""Pipeline reference for scband-positional-encoding-11751030522645 (READ-ONLY COPY).

The authoritative reference and input builder live on the scoring server;
editing this copy changes nothing except your own understanding.
"""

import math
import jax, jax.numpy as jnp
import numpy as np

VOCAB = 1000000
EMBED = 64
WINDOW = 200
BATCH = 4096


def _positional_encoding(length, depth):
    position = jnp.arange(length, dtype=jnp.float32)[:, None]
    div_term = jnp.exp(jnp.arange(0, depth, 2, dtype=jnp.float32) * -(math.log(10000.0) / depth))
    ang = position * div_term  # [length, depth//2]
    pe = jnp.concatenate([jnp.sin(ang), jnp.cos(ang)], axis=1)  # halved layout: sin first half, cos second half
    return pe.astype(jnp.float32)


def setup_inputs(seed: int = 0):
    key = jax.random.key(seed)
    k1, k2 = jax.random.split(key)
    x = jax.random.randint(k1, (BATCH, WINDOW), 0, VOCAB, dtype=jnp.int32)
    table = jax.random.normal(k2, (VOCAB, EMBED), dtype=jnp.float32)
    pos_encoding = _positional_encoding(WINDOW, EMBED)
    return {"x": x, "table": table, "pos_encoding": pos_encoding}


def reference(x, table, pos_encoding):
    # 1. embed
    emb = jnp.take(table, x, axis=0)  # [B, W, E]
    # 2. scale by sqrt(embed_size)
    emb = emb * math.sqrt(EMBED)
    # 3. add positional encoding broadcast over batch
    seq_len = x.shape[1]
    emb = emb + pos_encoding[:seq_len, :]
    # 4. dropout: identity in eval / deterministic mode (p=0.0)
    return emb

if __name__ == "__main__":
    import jax
    _d = setup_inputs()
    print(jax.jit(kernel)(*tuple(_d.values())))

</pallas_src>

<mosaic_0001>
#map = affine_map<(d0, d1) -> (0)>
#map1 = affine_map<(d0, d1) -> (0, 0)>
#map2 = affine_map<(d0, d1) -> (0, 0, 0)>
module attributes {stable_mosaic.version = 14 : i64} {
  func.func @_body(%arg0: i32, %arg1: i32, %arg2: memref<819200xi32, #tpu.memory_space<hbm>>, %arg3: memref<1000000x64xf32, #tpu.memory_space<hbm>>, %arg4: memref<200x64xf32, #tpu.memory_space<hbm>>, %arg5: memref<4096x200x64xf32, #tpu.memory_space<hbm>>, %arg6: memref<25600xi32, #tpu.memory_space<vmem>>, %arg7: memref<200x64xf32, #tpu.memory_space<vmem>>, %arg8: memref<200x64xf32, #tpu.memory_space<vmem>>, %arg9: memref<200x64xf32, #tpu.memory_space<vmem>>, %arg10: memref<200x64xf32, #tpu.memory_space<vmem>>, %arg11: memref<200x64xf32, #tpu.memory_space<vmem>>, %arg12: memref<!tpu.dma_semaphore, #tpu.memory_space<semaphore_mem>>, %arg13: memref<!tpu.dma_semaphore, #tpu.memory_space<semaphore_mem>>, %arg14: memref<!tpu.dma_semaphore, #tpu.memory_space<semaphore_mem>>, %arg15: memref<!tpu.dma_semaphore, #tpu.memory_space<semaphore_mem>>) attributes {dimension_semantics = [#tpu.dimension_semantics<core_parallel>, #tpu.dimension_semantics<subcore_parallel>], iteration_bounds = array<i64: 2, 16>, scalar_prefetch = 0 : i64, scratch_operands = 10 : i64, tpu.core_type = #tpu.core_type<sc_vector_subcore>, window_params = [{transform_indices = #map}, {transform_indices = #map1}, {transform_indices = #map1}, {transform_indices = #map2}]} {
    %mul3A = arith.constant 2 : i32
    %mul3A_0 = arith.muli %arg1, %mul3A : i32
    %add3A = arith.addi %mul3A_0, %arg0 : i32
    %mul3A_1 = arith.constant 128 : i32
    %mul3A_2 = arith.muli %add3A, %mul3A_1 : i32
    "tpu.region"() ({
      %run_scoped3A = tpu.sem_alloc : memref<!tpu.dma_semaphore, #tpu.memory_space<semaphore_mem>>
      tpu.enqueue_dma source(%arg4 : memref<200x64xf32, #tpu.memory_space<hbm>>) target(%arg7 : memref<200x64xf32, #tpu.memory_space<vmem>>) target_semaphore(%run_scoped3A : memref<!tpu.dma_semaphore, #tpu.memory_space<semaphore_mem>>)
      tpu.wait_dma2 semaphore(%run_scoped3A : memref<!tpu.dma_semaphore, #tpu.memory_space<semaphore_mem>>) src(%arg4 : memref<200x64xf32, #tpu.memory_space<hbm>>) dst(%arg7 : memref<200x64xf32, #tpu.memory_space<vmem>>)
      tpu.yield
    }) : () -> ()
    %mul3A_3 = arith.constant 200 : i32
    %mul3A_4 = arith.muli %mul3A_2, %mul3A_3 : i32
    "tpu.region"() ({
      %run_scoped3A = tpu.sem_alloc : memref<!tpu.dma_semaphore, #tpu.memory_space<semaphore_mem>>
      %dma_start3A_37 = tpu.memref_slice %arg2[%mul3A_4] : memref<819200xi32, #tpu.memory_space<hbm>> -> memref<25600xi32, #tpu.memory_space<hbm>>
      %dma_start3A_38 = tpu.memref_slice %arg2[%mul3A_4] : memref<819200xi32, #tpu.memory_space<hbm>> -> memref<25600xi32, #tpu.memory_space<hbm>>
      tpu.enqueue_dma source(%dma_start3A_38 : memref<25600xi32, #tpu.memory_space<hbm>>) target(%arg6 : memref<25600xi32, #tpu.memory_space<vmem>>) target_semaphore(%run_scoped3A : memref<!tpu.dma_semaphore, #tpu.memory_space<semaphore_mem>>)
      %dma_wait3A_39 = tpu.memref_slice %arg2[%mul3A_4] : memref<819200xi32, #tpu.memory_space<hbm>> -> memref<25600xi32, #tpu.memory_space<hbm>>
      %dma_wait3A_40 = tpu.memref_slice %arg2[%mul3A_4] : memref<819200xi32, #tpu.memory_space<hbm>> -> memref<25600xi32, #tpu.memory_space<hbm>>
      tpu.wait_dma2 semaphore(%run_scoped3A : memref<!tpu.dma_semaphore, #tpu.memory_space<semaphore_mem>>) src(%dma_wait3A_40 : memref<25600xi32, #tpu.memory_space<hbm>>) dst(%arg6 : memref<25600xi32, #tpu.memory_space<vmem>>)
      tpu.yield
    }) : () -> ()
    %dma_start3A = arith.constant 0 : i32
    %dma_start3A_5 = tpu.memref_slice %arg6[%dma_start3A] : memref<25600xi32, #tpu.memory_space<vmem>> -> memref<200xi32, #tpu.memory_space<vmem>>
    %dma_start3A_6 = arith.constant 0 : i32
    %dma_start3A_7 = arith.constant 0 : i32
    %dma_start3A_8 = tpu.memref_slice %arg3[%dma_start3A_6, %dma_start3A_7] : memref<1000000x64xf32, #tpu.memory_space<hbm>> -> memref<1000000x64xf32, #tpu.memory_space<hbm>>
    tpu.enqueue_indirect_dma source(%dma_start3A_8 : memref<1000000x64xf32, #tpu.memory_space<hbm>>) target(%arg8 : memref<200x64xf32, #tpu.memory_space<vmem>>) offsets(%dma_start3A_5 : memref<200xi32, #tpu.memory_space<vmem>>) semaphore(%arg12 : memref<!tpu.dma_semaphore, #tpu.memory_space<semaphore_mem>>)
    %dma_start3A_9 = arith.constant 200 : i32
    %dma_start3A_10 = tpu.memref_slice %arg6[%dma_start3A_9] : memref<25600xi32, #tpu.memory_space<vmem>> -> memref<200xi32, #tpu.memory_space<vmem>>
    %dma_start3A_11 = arith.constant 0 : i32
    %dma_start3A_12 = arith.constant 0 : i32
    %dma_start3A_13 = tpu.memref_slice %arg3[%dma_start3A_11, %dma_start3A_12] : memref<1000000x64xf32, #tpu.memory_space<hbm>> -> memref<1000000x64xf32, #tpu.memory_space<hbm>>
    tpu.enqueue_indirect_dma source(%dma_start3A_13 : memref<1000000x64xf32, #tpu.memory_space<hbm>>) target(%arg9 : memref<200x64xf32, #tpu.memory_space<vmem>>) offsets(%dma_start3A_10 : memref<200xi32, #tpu.memory_space<vmem>>) semaphore(%arg13 : memref<!tpu.dma_semaphore, #tpu.memory_space<semaphore_mem>>)
    %scan3A = arith.constant 0 : i32
    %scan3A_14 = arith.constant 64 : i32
    %scan3A_15 = arith.addi %scan3A, %scan3A_14 : i32
    %scan3A_16 = arith.constant 1 : i32
    scf.for %scan3A_37 = %scan3A to %scan3A_15 step %scan3A_16  : i32 {
      %mul3A_38 = arith.constant 2 : i32
      %mul3A_39 = arith.muli %mul3A_38, %scan3A_37 : i32
      %add3A_40 = arith.constant 0 : i32
      %add3A_41 = arith.addi %mul3A_39, %add3A_40 : i32
      %mul3A_42 = arith.constant 200 : i32
      %mul3A_43 = arith.muli %add3A_41, %mul3A_42 : i32
      %dma_wait3A_44 = tpu.memref_slice %arg6[%mul3A_43] : memref<25600xi32, #tpu.memory_space<vmem>> -> memref<200xi32, #tpu.memory_space<vmem>>
      %dma_wait3A_45 = arith.constant 0 : i32
      %dma_wait3A_46 = arith.constant 0 : i32
      %dma_wait3A_47 = tpu.memref_slice %arg3[%dma_wait3A_45, %dma_wait3A_46] : memref<1000000x64xf32, #tpu.memory_space<hbm>> -> memref<1000000x64xf32, #tpu.memory_space<hbm>>
      tpu.wait_indirect_dma semaphore(%arg12 : memref<!tpu.dma_semaphore, #tpu.memory_space<semaphore_mem>>) src(%dma_wait3A_47 : memref<1000000x64xf32, #tpu.memory_space<hbm>>) dst(%arg8 : memref<200x64xf32, #tpu.memory_space<vmem>>)
      %ge3A = arith.constant 1 : i32
      %ge3A_48 = arith.cmpi sge, %scan3A_37, %ge3A : i32
      %convert_element_type3A = arith.extui %ge3A_48 : i1 to i32
      %cond3A = arith.constant 0 : i32
      %cond3A_49 = arith.cmpi ne, %convert_element_type3A, %cond3A : i32
      scf.if %cond3A_49 {
        %add3A_106 = arith.addi %mul3A_2, %add3A_41 : i32
        %sub3A = arith.constant 2 : i32
        %sub3A_107 = arith.subi %add3A_106, %sub3A : i32
        %dma_wait3A_108 = arith.constant 0 : i32
        %dma_wait3A_109 = arith.constant 0 : i32
        %dma_wait3A_110 = tpu.memref_slice %arg5[%sub3A_107, %dma_wait3A_108, %dma_wait3A_109] : memref<4096x200x64xf32, #tpu.memory_space<hbm>> -> memref<1x200x64xf32, #tpu.memory_space<hbm>>
        %dma_wait3A_111 = tpu.memref_squeeze %dma_wait3A_110 : memref<1x200x64xf32, #tpu.memory_space<hbm>> -> memref<200x64xf32, #tpu.memory_space<hbm>>
        %dma_wait3A_112 = arith.constant 0 : i32
        %dma_wait3A_113 = arith.constant 0 : i32
        %dma_wait3A_114 = tpu.memref_slice %arg5[%sub3A_107, %dma_wait3A_112, %dma_wait3A_113] : memref<4096x200x64xf32, #tpu.memory_space<hbm>> -> memref<1x200x64xf32, #tpu.memory_space<hbm>>
        %dma_wait3A_115 = tpu.memref_squeeze %dma_wait3A_114 : memref<1x200x64xf32, #tpu.memory_space<hbm>> -> memref<200x64xf32, #tpu.memory_space<hbm>>
        tpu.wait_dma2 semaphore(%arg14 : memref<!tpu.dma_semaphore, #tpu.memory_space<semaphore_mem>>) src(%arg10 : memref<200x64xf32, #tpu.memory_space<vmem>>) dst(%dma_wait3A_115 : memref<200x64xf32, #tpu.memory_space<hbm>>)
      } else {
      }
      %scan3A_50 = arith.constant 0 : i32
      %scan3A_51 = arith.constant 200 : i32
      %scan3A_52 = arith.addi %scan3A_50, %scan3A_51 : i32
      %scan3A_53 = arith.constant 4 : i32
      scf.for %scan3A_106 = %scan3A_50 to %scan3A_52 step %scan3A_53  : i32 {
        %get3A = arith.index_cast %scan3A_106 : i32 to index
        %get3A_107 = arith.constant 0 : index
        %get3A_108 = tpu.vector_load %arg8[%get3A, %get3A_107] {strides = array<i32>} : memref<200x64xf32, #tpu.memory_space<vmem>>, vector<1x16xf32>,
        %get3A_109 = vector.shape_cast %get3A_108 : vector<1x16xf32> to vector<16xf32>
        %mul3A_110 = arith.constant 8.000000e+00 : f32
        %mul3A_111 = vector.broadcast %mul3A_110 : f32 to vector<16xf32>
        %mul3A_112 = arith.mulf %get3A_109, %mul3A_111 : vector<16xf32>
        %get3A_113 = arith.index_cast %scan3A_106 : i32 to index
        %get3A_114 = arith.constant 0 : index
        %get3A_115 = tpu.vector_load %arg7[%get3A_113, %get3A_114] {strides = array<i32>} : memref<200x64xf32, #tpu.memory_space<vmem>>, vector<1x16xf32>,
        %get3A_116 = vector.shape_cast %get3A_115 : vector<1x16xf32> to vector<16xf32>
        %add3A_117 = arith.addf %mul3A_112, %get3A_116 : vector<16xf32>
        %swap3A = arith.index_cast %scan3A_106 : i32 to index
        %swap3A_118 = arith.constant 0 : index
        %swap3A_119 = tpu.vector_load %arg10[%swap3A, %swap3A_118] {strides = array<i32>} : memref<200x64xf32, #tpu.memory_space<vmem>>, vector<1x16xf32>,
        %swap3A_120 = vector.shape_cast %swap3A_119 : vector<1x16xf32> to vector<16xf32>
        %swap3A_121 = vector.shape_cast %add3A_117 : vector<16xf32> to vector<1x16xf32>
        tpu.vector_store %arg10[%swap3A, %swap3A_118], %swap3A_121 {strides = array<i32>} : memref<200x64xf32, #tpu.memory_space<vmem>>, vector<1x16xf32>,
        %get3A_122 = arith.index_cast %scan3A_106 : i32 to index
        %get3A_123 = arith.constant 16 : index
        %get3A_124 = tpu.vector_load %arg8[%get3A_122, %get3A_123] {strides = array<i32>} : memref<200x64xf32, #tpu.memory_space<vmem>>, vector<1x16xf32>,
        %get3A_125 = vector.shape_cast %get3A_124 : vector<1x16xf32> to vector<16xf32>
        %mul3A_126 = arith.constant 8.000000e+00 : f32
        %mul3A_127 = vector.broadcast %mul3A_126 : f32 to vector<16xf32>
        %mul3A_128 = arith.mulf %get3A_125, %mul3A_127 : vector<16xf32>
        %get3A_129 = arith.index_cast %scan3A_106 : i32 to index
        %get3A_130 = arith.constant 16 : index
        %get3A_131 = tpu.vector_load %arg7[%get3A_129, %get3A_130] {strides = array<i32>} : memref<200x64xf32, #tpu.memory_space<vmem>>, vector<1x16xf32>,
        %get3A_132 = vector.shape_cast %get3A_131 : vector<1x16xf32> to vector<16xf32>
        %add3A_133 = arith.addf %mul3A_128, %get3A_132 : vector<16xf32>
        %swap3A_134 = arith.index_cast %scan3A_106 : i32 to index
        %swap3A_135 = arith.constant 16 : index
        %swap3A_136 = tpu.vector_load %arg10[%swap3A_134, %swap3A_135] {strides = array<i32>} : memref<200x64xf32, #tpu.memory_space<vmem>>, vector<1x16xf32>,
        %swap3A_137 = vector.shape_cast %swap3A_136 : vector<1x16xf32> to vector<16xf32>
        %swap3A_138 = vector.shape_cast %add3A_133 : vector<16xf32> to vector<1x16xf32>
        tpu.vector_store %arg10[%swap3A_134, %swap3A_135], %swap3A_138 {strides = array<i32>} : memref<200x64xf32, #tpu.memory_space<vmem>>, vector<1x16xf32>,
        %get3A_139 = arith.index_cast %scan3A_106 : i32 to index
        %get3A_140 = arith.constant 32 : index
        %get3A_141 = tpu.vector_load %arg8[%get3A_139, %get3A_140] {strides = array<i32>} : memref<200x64xf32, #tpu.memory_space<vmem>>, vector<1x16xf32>,
        %get3A_142 = vector.shape_cast %get3A_141 : vector<1x16xf32> to vector<16xf32>
        %mul3A_143 = arith.constant 8.000000e+00 : f32
        %mul3A_144 = vector.broadcast %mul3A_143 : f32 to vector<16xf32>
        %mul3A_145 = arith.mulf %get3A_142, %mul3A_144 : vector<16xf32>
        %get3A_146 = arith.index_cast %scan3A_106 : i32 to index
        %get3A_147 = arith.constant 32 : index
        %get3A_148 = tpu.vector_load %arg7[%get3A_146, %get3A_147] {strides = array<i32>} : memref<200x64xf32, #tpu.memory_space<vmem>>, vector<1x16xf32>,
        %get3A_149 = vector.shape_cast %get3A_148 : vector<1x16xf32> to vector<16xf32>
        %add3A_150 = arith.addf %mul3A_145, %get3A_149 : vector<16xf32>
        %swap3A_151 = arith.index_cast %scan3A_106 : i32 to index
        %swap3A_152 = arith.constant 32 : index
        %swap3A_153 = tpu.vector_load %arg10[%swap3A_151, %swap3A_152] {strides = array<i32>} : memref<200x64xf32, #tpu.memory_space<vmem>>, vector<1x16xf32>,
        %swap3A_154 = vector.shape_cast %swap3A_153 : vector<1x16xf32> to vector<16xf32>
        %swap3A_155 = vector.shape_cast %add3A_150 : vector<16xf32> to vector<1x16xf32>
        tpu.vector_store %arg10[%swap3A_151, %swap3A_152], %swap3A_155 {strides = array<i32>} : memref<200x64xf32, #tpu.memory_space<vmem>>, vector<1x16xf32>,
        %get3A_156 = arith.index_cast %scan3A_106 : i32 to index
        %get3A_157 = arith.constant 48 : index
        %get3A_158 = tpu.vector_load %arg8[%get3A_156, %get3A_157] {strides = array<i32>} : memref<200x64xf32, #tpu.memory_space<vmem>>, vector<1x16xf32>,
        %get3A_159 = vector.shape_cast %get3A_158 : vector<1x16xf32> to vector<16xf32>
        %mul3A_160 = arith.constant 8.000000e+00 : f32
        %mul3A_161 = vector.broadcast %mul3A_160 : f32 to vector<16xf32>
        %mul3A_162 = arith.mulf %get3A_159, %mul3A_161 : vector<16xf32>
        %get3A_163 = arith.index_cast %scan3A_106 : i32 to index
        %get3A_164 = arith.constant 48 : index
        %get3A_165 = tpu.vector_load %arg7[%get3A_163, %get3A_164] {strides = array<i32>} : memref<200x64xf32, #tpu.memory_space<vmem>>, vector<1x16xf32>,
        %get3A_166 = vector.shape_cast %get3A_165 : vector<1x16xf32> to vector<16xf32>
        %add3A_167 = arith.addf %mul3A_162, %get3A_166 : vector<16xf32>
        %swap3A_168 = arith.index_cast %scan3A_106 : i32 to index
        %swap3A_169 = arith.constant 48 : index
        %swap3A_170 = tpu.vector_load %arg10[%swap3A_168, %swap3A_169] {strides = array<i32>} : memref<200x64xf32, #tpu.memory_space<vmem>>, vector<1x16xf32>,
        %swap3A_171 = vector.shape_cast %swap3A_170 : vector<1x16xf32> to vector<16xf32>
        %swap3A_172 = vector.shape_cast %add3A_167 : vector<16xf32> to vector<1x16xf32>
        tpu.vector_store %arg10[%swap3A_168, %swap3A_169], %swap3A_172 {strides = array<i32>} : memref<200x64xf32, #tpu.memory_space<vmem>>, vector<1x16xf32>,
        %scan3A_173 = arith.constant 1 : i32
        %scan3A_174 = arith.addi %scan3A_106, %scan3A_173 : i32
        %get3A_175 = arith.index_cast %scan3A_174 : i32 to index
        %get3A_176 = arith.constant 0 : index
        %get3A_177 = tpu.vector_load %arg8[%get3A_175, %get3A_176] {strides = array<i32>} : memref<200x64xf32, #tpu.memory_space<vmem>>, vector<1x16xf32>,
        %get3A_178 = vector.shape_cast %get3A_177 : vector<1x16xf32> to vector<16xf32>
        %mul3A_179 = arith.constant 8.000000e+00 : f32
        %mul3A_180 = vector.broadcast %mul3A_179 : f32 to vector<16xf32>
        %mul3A_181 = arith.mulf %get3A_178, %mul3A_180 : vector<16xf32>
        %get3A_182 = arith.index_cast %scan3A_174 : i32 to index
        %get3A_183 = arith.constant 0 : index
        %get3A_184 = tpu.vector_load %arg7[%get3A_182, %get3A_183] {strides = array<i32>} : memref<200x64xf32, #tpu.memory_space<vmem>>, vector<1x16xf32>,
        %get3A_185 = vector.shape_cast %get3A_184 : vector<1x16xf32> to vector<16xf32>
        %add3A_186 = arith.addf %mul3A_181, %get3A_185 : vector<16xf32>
        %swap3A_187 = arith.index_cast %scan3A_174 : i32 to index
        %swap3A_188 = arith.constant 0 : index
        %swap3A_189 = tpu.vector_load %arg10[%swap3A_187, %swap3A_188] {strides = array<i32>} : memref<200x64xf32, #tpu.memory_space<vmem>>, vector<1x16xf32>,
        %swap3A_190 = vector.shape_cast %swap3A_189 : vector<1x16xf32> to vector<16xf32>
        %swap3A_191 = vector.shape_cast %add3A_186 : vector<16xf32> to vector<1x16xf32>
        tpu.vector_store %arg10[%swap3A_187, %swap3A_188], %swap3A_191 {strides = array<i32>} : memref<200x64xf32, #tpu.memory_space<vmem>>, vector<1x16xf32>,
        %get3A_192 = arith.index_cast %scan3A_174 : i32 to index
        %get3A_193 = arith.constant 16 : index
        %get3A_194 = tpu.vector_load %arg8[%get3A_192, %get3A_193] {strides = array<i32>} : memref<200x64xf32, #tpu.memory_space<vmem>>, vector<1x16xf32>,
        %get3A_195 = vector.shape_cast %get3A_194 : vector<1x16xf32> to vector<16xf32>
        %mul3A_196 = arith.constant 8.000000e+00 : f32
        %mul3A_197 = vector.broadcast %mul3A_196 : f32 to vector<16xf32>
        %mul3A_198 = arith.mulf %get3A_195, %mul3A_197 : vector<16xf32>
        %get3A_199 = arith.index_cast %scan3A_174 : i32 to index
        %get3A_200 = arith.constant 16 : index
        %get3A_201 = tpu.vector_load %arg7[%get3A_199, %get3A_200] {strides = array<i32>} : memref<200x64xf32, #tpu.memory_space<vmem>>, vector<1x16xf32>,
        %get3A_202 = vector.shape_cast %get3A_201 : vector<1x16xf32> to vector<16xf32>
        %add3A_203 = arith.addf %mul3A_198, %get3A_202 : vector<16xf32>
        %swap3A_204 = arith.index_cast %scan3A_174 : i32 to index
        %swap3A_205 = arith.constant 16 : index
        %swap3A_206 = tpu.vector_load %arg10[%swap3A_204, %swap3A_205] {strides = array<i32>} : memref<200x64xf32, #tpu.memory_space<vmem>>, vector<1x16xf32>,
        %swap3A_207 = vector.shape_cast %swap3A_206 : vector<1x16xf32> to vector<16xf32>
        %swap3A_208 = vector.shape_cast %add3A_203 : vector<16xf32> to vector<1x16xf32>
        tpu.vector_store %arg10[%swap3A_204, %swap3A_205], %swap3A_208 {strides = array<i32>} : memref<200x64xf32, #tpu.memory_space<vmem>>, vector<1x16xf32>,
        %get3A_209 = arith.index_cast %scan3A_174 : i32 to index
        %get3A_210 = arith.constant 32 : index
        %get3A_211 = tpu.vector_load %arg8[%get3A_209, %get3A_210] {strides = array<i32>} : memref<200x64xf32, #tpu.memory_space<vmem>>, vector<1x16xf32>,
        %get3A_212 = vector.shape_cast %get3A_211 : vector<1x16xf32> to vector<16xf32>
        %mul3A_213 = arith.constant 8.000000e+00 : f32
        %mul3A_214 = vector.broadcast %mul3A_213 : f32 to vector<16xf32>
        %mul3A_215 = arith.mulf %get3A_212, %mul3A_214 : vector<16xf32>
        %get3A_216 = arith.index_cast %scan3A_174 : i32 to index
        %get3A_217 = arith.constant 32 : index
        %get3A_218 = tpu.vector_load %arg7[%get3A_216, %get3A_217] {strides = array<i32>} : memref<200x64xf32, #tpu.memory_space<vmem>>, vector<1x16xf32>,
        %get3A_219 = vector.shape_cast %get3A_218 : vector<1x16xf32> to vector<16xf32>
        %add3A_220 = arith.addf %mul3A_215, %get3A_219 : vector<16xf32>
        %swap3A_221 = arith.index_cast %scan3A_174 : i32 to index
        %swap3A_222 = arith.constant 32 : index
        %swap3A_223 = tpu.vector_load %arg10[%swap3A_221, %swap3A_222] {strides = array<i32>} : memref<200x64xf32, #tpu.memory_space<vmem>>, vector<1x16xf32>,
        %swap3A_224 = vector.shape_cast %swap3A_223 : vector<1x16xf32> to vector<16xf32>
        %swap3A_225 = vector.shape_cast %add3A_220 : vector<16xf32> to vector<1x16xf32>
        tpu.vector_store %arg10[%swap3A_221, %swap3A_222], %swap3A_225 {strides = array<i32>} : memref<200x64xf32, #tpu.memory_space<vmem>>, vector<1x16xf32>,
        %get3A_226 = arith.index_cast %scan3A_174 : i32 to index
        %get3A_227 = arith.constant 48 : index
        %get3A_228 = tpu.vector_load %arg8[%get3A_226, %get3A_227] {strides = array<i32>} : memref<200x64xf32, #tpu.memory_space<vmem>>, vector<1x16xf32>,
        %get3A_229 = vector.shape_cast %get3A_228 : vector<1x16xf32> to vector<16xf32>
        %mul3A_230 = arith.constant 8.000000e+00 : f32
        %mul3A_231 = vector.broadcast %mul3A_230 : f32 to vector<16xf32>
        %mul3A_232 = arith.mulf %get3A_229, %mul3A_231 : vector<16xf32>
        %get3A_233 = arith.index_cast %scan3A_174 : i32 to index
        %get3A_234 = arith.constant 48 : index
        %get3A_235 = tpu.vector_load %arg7[%get3A_233, %get3A_234] {strides = array<i32>} : memref<200x64xf32, #tpu.memory_space<vmem>>, vector<1x16xf32>,
        %get3A_236 = vector.shape_cast %get3A_235 : vector<1x16xf32> to vector<16xf32>
        %add3A_237 = arith.addf %mul3A_232, %get3A_236 : vector<16xf32>
        %swap3A_238 = arith.index_cast %scan3A_174 : i32 to index
        %swap3A_239 = arith.constant 48 : index
        %swap3A_240 = tpu.vector_load %arg10[%swap3A_238, %swap3A_239] {strides = array<i32>} : memref<200x64xf32, #tpu.memory_space<vmem>>, vector<1x16xf32>,
        %swap3A_241 = vector.shape_cast %swap3A_240 : vector<1x16xf32> to vector<16xf32>
        %swap3A_242 = vector.shape_cast %add3A_237 : vector<16xf32> to vector<1x16xf32>
        tpu.vector_store %arg10[%swap3A_238, %swap3A_239], %swap3A_242 {strides = array<i32>} : memref<200x64xf32, #tpu.memory_space<vmem>>, vector<1x16xf32>,
        %scan3A_243 = arith.constant 2 : i32
        %scan3A_244 = arith.addi %scan3A_106, %scan3A_243 : i32
        %get3A_245 = arith.index_cast %scan3A_244 : i32 to index
        %get3A_246 = arith.constant 0 : index
        %get3A_247 = tpu.vector_load %arg8[%get3A_245, %get3A_246] {strides = array<i32>} : memref<200x64xf32, #tpu.memory_space<vmem>>, vector<1x16xf32>,
        %get3A_248 = vector.shape_cast %get3A_247 : vector<1x16xf32> to vector<16xf32>
        %mul3A_249 = arith.constant 8.000000e+00 : f32
        %mul3A_250 = vector.broadcast %mul3A_249 : f32 to vector<16xf32>
        %mul3A_251 = arith.mulf %get3A_248, %mul3A_250 : vector<16xf32>
        %get3A_252 = arith.index_cast %scan3A_244 : i32 to index
        %get3A_253 = arith.constant 0 : index
        %get3A_254 = tpu.vector_load %arg7[%get3A_252, %get3A_253] {strides = array<i32>} : memref<200x64xf32, #tpu.memory_space<vmem>>, vector<1x16xf32>,
        %get3A_255 = vector.shape_cast %get3A_254 : vector<1x16xf32> to vector<16xf32>
        %add3A_256 = arith.addf %mul3A_251, %get3A_255 : vector<16xf32>
        %swap3A_257 = arith.index_cast %scan3A_244 : i32 to index
        %swap3A_258 = arith.constant 0 : index
        %swap3A_259 = tpu.vector_load %arg10[%swap3A_257, %swap3A_258] {strides = array<i32>} : memref<200x64xf32, #tpu.memory_space<vmem>>, vector<1x16xf32>,
        %swap3A_260 = vector.shape_cast %swap3A_259 : vector<1x16xf32> to vector<16xf32>
        %swap3A_261 = vector.shape_cast %add3A_256 : vector<16xf32> to vector<1x16xf32>
        tpu.vector_store %arg10[%swap3A_257, %swap3A_258], %swap3A_261 {strides = array<i32>} : memref<200x64xf32, #tpu.memory_space<vmem>>, vector<1x16xf32>,
        %get3A_262 = arith.index_cast %scan3A_244 : i32 to index
        %get3A_263 = arith.constant 16 : index
        %get3A_264 = tpu.vector_load %arg8[%get3A_262, %get3A_263] {strides = array<i32>} : memref<200x64xf32, #tpu.memory_space<vmem>>, vector<1x16xf32>,
        %get3A_265 = vector.shape_cast %get3A_264 : vector<1x16xf32> to vector<16xf32>
        %mul3A_266 = arith.constant 8.000000e+00 : f32
        %mul3A_267 = vector.broadcast %mul3A_266 : f32 to vector<16xf32>
        %mul3A_268 = arith.mulf %get3A_265, %mul3A_267 : vector<16xf32>
        %get3A_269 = arith.index_cast %scan3A_244 : i32 to index
        %get3A_270 = arith.constant 16 : index
        %get3A_271 = tpu.vector_load %arg7[%get3A_269, %get3A_270] {strides = array<i32>} : memref<200x64xf32, #tpu.memory_space<vmem>>, vector<1x16xf32>,
        %get3A_272 = vector.shape_cast %get3A_271 : vector<1x16xf32> to vector<16xf32>
        %add3A_273 = arith.addf %mul3A_268, %get3A_272 : vector<16xf32>
        %swap3A_274 = arith.index_cast %scan3A_244 : i32 to index
        %swap3A_275 = arith.constant 16 : index
        %swap3A_276 = tpu.vector_load %arg10[%swap3A_274, %swap3A_275] {strides = array<i32>} : memref<200x64xf32, #tpu.memory_space<vmem>>, vector<1x16xf32>,
        %swap3A_277 = vector.shape_cast %swap3A_276 : vector<1x16xf32> to vector<16xf32>
        %swap3A_278 = vector.shape_cast %add3A_273 : vector<16xf32> to vector<1x16xf32>
        tpu.vector_store %arg10[%swap3A_274, %swap3A_275], %swap3A_278 {strides = array<i32>} : memref<200x64xf32, #tpu.memory_space<vmem>>, vector<1x16xf32>,
        %get3A_279 = arith.index_cast %scan3A_244 : i32 to index
        %get3A_280 = arith.constant 32 : index
        %get3A_281 = tpu.vector_load %arg8[%get3A_279, %get3A_280] {strides = array<i32>} : memref<200x64xf32, #tpu.memory_space<vmem>>, vector<1x16xf32>,
        %get3A_282 = vector.shape_cast %get3A_281 : vector<1x16xf32> to vector<16xf32>
        %mul3A_283 = arith.constant 8.000000e+00 : f32
        %mul3A_284 = vector.broadcast %mul3A_283 : f32 to vector<16xf32>
        %mul3A_285 = arith.mulf %get3A_282, %mul3A_284 : vector<16xf32>
        %get3A_286 = arith.index_cast %scan3A_244 : i32 to index
        %get3A_287 = arith.constant 32 : index
        %get3A_288 = tpu.vector_load %arg7[%get3A_286, %get3A_287] {strides = array<i32>} : memref<200x64xf32, #tpu.memory_space<vmem>>, vector<1x16xf32>,
        %get3A_289 = vector.shape_cast %get3A_288 : vector<1x16xf32> to vector<16xf32>
        %add3A_290 = arith.addf %mul3A_285, %get3A_289 : vector<16xf32>
        %swap3A_291 = arith.index_cast %scan3A_244 : i32 to index
        %swap3A_292 = arith.constant 32 : index
        %swap3A_293 = tpu.vector_load %arg10[%swap3A_291, %swap3A_292] {strides = array<i32>} : memref<200x64xf32, #tpu.memory_space<vmem>>, vector<1x16xf32>,
        %swap3A_294 = vector.shape_cast %swap3A_293 : vector<1x16xf32> to vector<16xf32>
        %swap3A_295 = vector.shape_cast %add3A_290 : vector<16xf32> to vector<1x16xf32>
        tpu.vector_store %arg10[%swap3A_291, %swap3A_292], %swap3A_295 {strides = array<i32>} : memref<200x64xf32, #tpu.memory_space<vmem>>, vector<1x16xf32>,
        %get3A_296 = arith.index_cast %scan3A_244 : i32 to index
        %get3A_297 = arith.constant 48 : index
        %get3A_298 = tpu.vector_load %arg8[%get3A_296, %get3A_297] {strides = array<i32>} : memref<200x64xf32, #tpu.memory_space<vmem>>, vector<1x16xf32>,
        %get3A_299 = vector.shape_cast %get3A_298 : vector<1x16xf32> to vector<16xf32>
        %mul3A_300 = arith.constant 8.000000e+00 : f32
        %mul3A_301 = vector.broadcast %mul3A_300 : f32 to vector<16xf32>
        %mul3A_302 = arith.mulf %get3A_299, %mul3A_301 : vector<16xf32>
        %get3A_303 = arith.index_cast %scan3A_244 : i32 to index
        %get3A_304 = arith.constant 48 : index
        %get3A_305 = tpu.vector_load %arg7[%get3A_303, %get3A_304] {strides = array<i32>} : memref<200x64xf32, #tpu.memory_space<vmem>>, vector<1x16xf32>,
        %get3A_306 = vector.shape_cast %get3A_305 : vector<1x16xf32> to vector<16xf32>
        %add3A_307 = arith.addf %mul3A_302, %get3A_306 : vector<16xf32>
        %swap3A_308 = arith.index_cast %scan3A_244 : i32 to index
        %swap3A_309 = arith.constant 48 : index
        %swap3A_310 = tpu.vector_load %arg10[%swap3A_308, %swap3A_309] {strides = array<i32>} : memref<200x64xf32, #tpu.memory_space<vmem>>, vector<1x16xf32>,
        %swap3A_311 = vector.shape_cast %swap3A_310 : vector<1x16xf32> to vector<16xf32>
        %swap3A_312 = vector.shape_cast %add3A_307 : vector<16xf32> to vector<1x16xf32>
        tpu.vector_store %arg10[%swap3A_308, %swap3A_309], %swap3A_312 {strides = array<i32>} : memref<200x64xf32, #tpu.memory_space<vmem>>, vector<1x16xf32>,
        %scan3A_313 = arith.constant 3 : i32
        %scan3A_314 = arith.addi %scan3A_106, %scan3A_313 : i32
        %get3A_315 = arith.index_cast %scan3A_314 : i32 to index
        %get3A_316 = arith.constant 0 : index
        %get3A_317 = tpu.vector_load %arg8[%get3A_315, %get3A_316] {strides = array<i32>} : memref<200x64xf32, #tpu.memory_space<vmem>>, vector<1x16xf32>,
        %get3A_318 = vector.shape_cast %get3A_317 : vector<1x16xf32> to vector<16xf32>
        %mul3A_319 = arith.constant 8.000000e+00 : f32
        %mul3A_320 = vector.broadcast %mul3A_319 : f32 to vector<16xf32>
        %mul3A_321 = arith.mulf %get3A_318, %mul3A_320 : vector<16xf32>
        %get3A_322 = arith.index_cast %scan3A_314 : i32 to index
        %get3A_323 = arith.constant 0 : index
        %get3A_324 = tpu.vector_load %arg7[%get3A_322, %get3A_323] {strides = array<i32>} : memref<200x64xf32, #tpu.memory_space<vmem>>, vector<1x16xf32>,
        %get3A_325 = vector.shape_cast %get3A_324 : vector<1x16xf32> to vector<16xf32>
        %add3A_326 = arith.addf %mul3A_321, %get3A_325 : vector<16xf32>
        %swap3A_327 = arith.index_cast %scan3A_314 : i32 to index
        %swap3A_328 = arith.constant 0 : index
        %swap3A_329 = tpu.vector_load %arg10[%swap3A_327, %swap3A_328] {strides = array<i32>} : memref<200x64xf32, #tpu.memory_space<vmem>>, vector<1x16xf32>,
        %swap3A_330 = vector.shape_cast %swap3A_329 : vector<1x16xf32> to vector<16xf32>
        %swap3A_331 = vector.shape_cast %add3A_326 : vector<16xf32> to vector<1x16xf32>
        tpu.vector_store %arg10[%swap3A_327, %swap3A_328], %swap3A_331 {strides = array<i32>} : memref<200x64xf32, #tpu.memory_space<vmem>>, vector<1x16xf32>,
        %get3A_332 = arith.index_cast %scan3A_314 : i32 to index
        %get3A_333 = arith.constant 16 : index
        %get3A_334 = tpu.vector_load %arg8[%get3A_332, %get3A_333] {strides = array<i32>} : memref<200x64xf32, #tpu.memory_space<vmem>>, vector<1x16xf32>,
        %get3A_335 = vector.shape_cast %get3A_334 : vector<1x16xf32> to vector<16xf32>
        %mul3A_336 = arith.constant 8.000000e+00 : f32
        %mul3A_337 = vector.broadcast %mul3A_336 : f32 to vector<16xf32>
        %mul3A_338 = arith.mulf %get3A_335, %mul3A_337 : vector<16xf32>
        %get3A_339 = arith.index_cast %scan3A_314 : i32 to index
        %get3A_340 = arith.constant 16 : index
        %get3A_341 = tpu.vector_load %arg7[%get3A_339, %get3A_340] {strides = array<i32>} : memref<200x64xf32, #tpu.memory_space<vmem>>, vector<1x16xf32>,
        %get3A_342 = vector.shape_cast %get3A_341 : vector<1x16xf32> to vector<16xf32>
        %add3A_343 = arith.addf %mul3A_338, %get3A_342 : vector<16xf32>
        %swap3A_344 = arith.index_cast %scan3A_314 : i32 to index
        %swap3A_345 = arith.constant 16 : index
        %swap3A_346 = tpu.vector_load %arg10[%swap3A_344, %swap3A_345] {strides = array<i32>} : memref<200x64xf32, #tpu.memory_space<vmem>>, vector<1x16xf32>,
        %swap3A_347 = vector.shape_cast %swap3A_346 : vector<1x16xf32> to vector<16xf32>
        %swap3A_348 = vector.shape_cast %add3A_343 : vector<16xf32> to vector<1x16xf32>
        tpu.vector_store %arg10[%swap3A_344, %swap3A_345], %swap3A_348 {strides = array<i32>} : memref<200x64xf32, #tpu.memory_space<vmem>>, vector<1x16xf32>,
        %get3A_349 = arith.index_cast %scan3A_314 : i32 to index
        %get3A_350 = arith.constant 32 : index
        %get3A_351 = tpu.vector_load %arg8[%get3A_349, %get3A_350] {strides = array<i32>} : memref<200x64xf32, #tpu.memory_space<vmem>>, vector<1x16xf32>,
        %get3A_352 = vector.shape_cast %get3A_351 : vector<1x16xf32> to vector<16xf32>
        %mul3A_353 = arith.constant 8.000000e+00 : f32
        %mul3A_354 = vector.broadcast %mul3A_353 : f32 to vector<16xf32>
        %mul3A_355 = arith.mulf %get3A_352, %mul3A_354 : vector<16xf32>
        %get3A_356 = arith.index_cast %scan3A_314 : i32 to index
        %get3A_357 = arith.constant 32 : index
        %get3A_358 = tpu.vector_load %arg7[%get3A_356, %get3A_357] {strides = array<i32>} : memref<200x64xf32, #tpu.memory_space<vmem>>, vector<1x16xf32>,
        %get3A_359 = vector.shape_cast %get3A_358 : vector<1x16xf32> to vector<16xf32>
        %add3A_360 = arith.addf %mul3A_355, %get3A_359 : vector<16xf32>
        %swap3A_361 = arith.index_cast %scan3A_314 : i32 to index
        %swap3A_362 = arith.constant 32 : index
        %swap3A_363 = tpu.vector_load %arg10[%swap3A_361, %swap3A_362] {strides = array<i32>} : memref<200x64xf32, #tpu.memory_space<vmem>>, vector<1x16xf32>,
        %swap3A_364 = vector.shape_cast %swap3A_363 : vector<1x16xf32> to vector<16xf32>
        %swap3A_365 = vector.shape_cast %add3A_360 : vector<16xf32> to vector<1x16xf32>
        tpu.vector_store %arg10[%swap3A_361, %swap3A_362], %swap3A_365 {strides = array<i32>} : memref<200x64xf32, #tpu.memory_space<vmem>>, vector<1x16xf32>,
        %get3A_366 = arith.index_cast %scan3A_314 : i32 to index
        %get3A_367 = arith.constant 48 : index
        %get3A_368 = tpu.vector_load %arg8[%get3A_366, %get3A_367] {strides = array<i32>} : memref<200x64xf32, #tpu.memory_space<vmem>>, vector<1x16xf32>,
        %get3A_369 = vector.shape_cast %get3A_368 : vector<1x16xf32> to vector<16xf32>
        %mul3A_370 = arith.constant 8.000000e+00 : f32
        %mul3A_371 = vector.broadcast %mul3A_370 : f32 to vector<16xf32>
        %mul3A_372 = arith.mulf %get3A_369, %mul3A_371 : vector<16xf32>
        %get3A_373 = arith.index_cast %scan3A_314 : i32 to index
        %get3A_374 = arith.constant 48 : index
        %get3A_375 = tpu.vector_load %arg7[%get3A_373, %get3A_374] {strides = array<i32>} : memref<200x64xf32, #tpu.memory_space<vmem>>, vector<1x16xf32>,
        %get3A_376 = vector.shape_cast %get3A_375 : vector<1x16xf32> to vector<16xf32>
        %add3A_377 = arith.addf %mul3A_372, %get3A_376 : vector<16xf32>
        %swap3A_378 = arith.index_cast %scan3A_314 : i32 to index
        %swap3A_379 = arith.constant 48 : index
        %swap3A_380 = tpu.vector_load %arg10[%swap3A_378, %swap3A_379] {strides = array<i32>} : memref<200x64xf32, #tpu.memory_space<vmem>>, vector<1x16xf32>,
        %swap3A_381 = vector.shape_cast %swap3A_380 : vector<1x16xf32> to vector<16xf32>
        %swap3A_382 = vector.shape_cast %add3A_377 : vector<16xf32> to vector<1x16xf32>
        tpu.vector_store %arg10[%swap3A_378, %swap3A_379], %swap3A_382 {strides = array<i32>} : memref<200x64xf32, #tpu.memory_space<vmem>>, vector<1x16xf32>,
      }
      %scan3A_54 = arith.constant 200 : i32
      %add3A_55 = arith.constant 2 : i32
      %add3A_56 = arith.addi %add3A_41, %add3A_55 : i32
      %lt3A = arith.constant 128 : i32
      %lt3A_57 = arith.cmpi slt, %add3A_56, %lt3A : i32
      %convert_element_type3A_58 = arith.extui %lt3A_57 : i1 to i32
      %cond3A_59 = arith.constant 0 : i32
      %cond3A_60 = arith.cmpi ne, %convert_element_type3A_58, %cond3A_59 : i32
      scf.if %cond3A_60 {
        %add3A_106 = arith.constant 2 : i32
        %add3A_107 = arith.addi %add3A_41, %add3A_106 : i32
        %mul3A_108 = arith.constant 200 : i32
        %mul3A_109 = arith.muli %add3A_107, %mul3A_108 : i32
        %dma_start3A_110 = tpu.memref_slice %arg6[%mul3A_109] : memref<25600xi32, #tpu.memory_space<vmem>> -> memref<200xi32, #tpu.memory_space<vmem>>
        %dma_start3A_111 = arith.constant 0 : i32
        %dma_start3A_112 = arith.constant 0 : i32
        %dma_start3A_113 = tpu.memref_slice %arg3[%dma_start3A_111, %dma_start3A_112] : memref<1000000x64xf32, #tpu.memory_space<hbm>> -> memref<1000000x64xf32, #tpu.memory_space<hbm>>
        tpu.enqueue_indirect_dma source(%dma_start3A_113 : memref<1000000x64xf32, #tpu.memory_space<hbm>>) target(%arg8 : memref<200x64xf32, #tpu.memory_space<vmem>>) offsets(%dma_start3A_110 : memref<200xi32, #tpu.memory_space<vmem>>) semaphore(%arg12 : memref<!tpu.dma_semaphore, #tpu.memory_space<semaphore_mem>>)
      } else {
      }
      %add3A_61 = arith.addi %mul3A_2, %add3A_41 : i32
      %dma_start3A_62 = arith.constant 0 : i32
      %dma_start3A_63 = arith.constant 0 : i32
      %dma_start3A_64 = tpu.memref_slice %arg5[%add3A_61, %dma_start3A_62, %dma_start3A_63] : memref<4096x200x64xf32, #tpu.memory_space<hbm>> -> memref<1x200x64xf32, #tpu.memory_space<hbm>>
      %dma_start3A_65 = tpu.memref_squeeze %dma_start3A_64 : memref<1x200x64xf32, #tpu.memory_space<hbm>> -> memref<200x64xf32, #tpu.memory_space<hbm>>
      %dma_start3A_66 = arith.constant 0 : i32
      %dma_start3A_67 = arith.constant 0 : i32
      %dma_start3A_68 = tpu.memref_slice %arg5[%add3A_61, %dma_start3A_66, %dma_start3A_67] : memref<4096x200x64xf32, #tpu.memory_space<hbm>> -> memref<1x200x64xf32, #tpu.memory_space<hbm>>
      %dma_start3A_69 = tpu.memref_squeeze %dma_start3A_68 : memref<1x200x64xf32, #tpu.memory_space<hbm>> -> memref<200x64xf32, #tpu.memory_space<hbm>>
      tpu.enqueue_dma source(%arg10 : memref<200x64xf32, #tpu.memory_space<vmem>>) target(%dma_start3A_69 : memref<200x64xf32, #tpu.memory_space<hbm>>) target_semaphore(%arg14 : memref<!tpu.dma_semaphore, #tpu.memory_space<semaphore_mem>>)
      %mul3A_70 = arith.constant 2 : i32
      %mul3A_71 = arith.muli %mul3A_70, %scan3A_37 : i32
      %add3A_72 = arith.constant 1 : i32
      %add3A_73 = arith.addi %mul3A_71, %add3A_72 : i32
      %mul3A_74 = arith.constant 200 : i32
      %mul3A_75 = arith.muli %add3A_73, %mul3A_74 : i32
      %dma_wait3A_76 = tpu.memref_slice %arg6[%mul3A_75] : memref<25600xi32, #tpu.memory_space<vmem>> -> memref<200xi32, #tpu.memory_space<vmem>>
      %dma_wait3A_77 = arith.constant 0 : i32
      %dma_wait3A_78 = arith.constant 0 : i32
      %dma_wait3A_79 = tpu.memref_slice %arg3[%dma_wait3A_77, %dma_wait3A_78] : memref<1000000x64xf32, #tpu.memory_space<hbm>> -> memref<1000000x64xf32, #tpu.memory_space<hbm>>
      tpu.wait_indirect_dma semaphore(%arg13 : memref<!tpu.dma_semaphore, #tpu.memory_space<semaphore_mem>>) src(%dma_wait3A_79 : memref<1000000x64xf32, #tpu.memory_space<hbm>>) dst(%arg9 : memref<200x64xf32, #tpu.memory_space<vmem>>)
      %ge3A_80 = arith.constant 1 : i32
      %ge3A_81 = arith.cmpi sge, %scan3A_37, %ge3A_80 : i32
      %convert_element_type3A_82 = arith.extui %ge3A_81 : i1 to i32
      %cond3A_83 = arith.constant 0 : i32
      %cond3A_84 = arith.cmpi ne, %convert_element_type3A_82, %cond3A_83 : i32
      scf.if %cond3A_84 {
        %add3A_106 = arith.addi %mul3A_2, %add3A_73 : i32
        %sub3A = arith.constant 2 : i32
        %sub3A_107 = arith.subi %add3A_106, %sub3A : i32
        %dma_wait3A_108 = arith.constant 0 : i32
        %dma_wait3A_109 = arith.constant 0 : i32
        %dma_wait3A_110 = tpu.memref_slice %arg5[%sub3A_107, %dma_wait3A_108, %dma_wait3A_109] : memref<4096x200x64xf32, #tpu.memory_space<hbm>> -> memref<1x200x64xf32, #tpu.memory_space<hbm>>
        %dma_wait3A_111 = tpu.memref_squeeze %dma_wait3A_110 : memref<1x200x64xf32, #tpu.memory_space<hbm>> -> memref<200x64xf32, #tpu.memory_space<hbm>>
        %dma_wait3A_112 = arith.constant 0 : i32
        %dma_wait3A_113 = arith.constant 0 : i32
        %dma_wait3A_114 = tpu.memref_slice %arg5[%sub3A_107, %dma_wait3A_112, %dma_wait3A_113] : memref<4096x200x64xf32, #tpu.memory_space<hbm>> -> memref<1x200x64xf32, #tpu.memory_space<hbm>>
        %dma_wait3A_115 = tpu.memref_squeeze %dma_wait3A_114 : memref<1x200x64xf32, #tpu.memory_space<hbm>> -> memref<200x64xf32, #tpu.memory_space<hbm>>
        tpu.wait_dma2 semaphore(%arg15 : memref<!tpu.dma_semaphore, #tpu.memory_space<semaphore_mem>>) src(%arg11 : memref<200x64xf32, #tpu.memory_space<vmem>>) dst(%dma_wait3A_115 : memref<200x64xf32, #tpu.memory_space<hbm>>)
      } else {
      }
      %scan3A_85 = arith.constant 0 : i32
      %scan3A_86 = arith.constant 200 : i32
      %scan3A_87 = arith.addi %scan3A_85, %scan3A_86 : i32
      %scan3A_88 = arith.constant 4 : i32
      scf.for %scan3A_106 = %scan3A_85 to %scan3A_87 step %scan3A_88  : i32 {
        %get3A = arith.index_cast %scan3A_106 : i32 to index
        %get3A_107 = arith.constant 0 : index
        %get3A_108 = tpu.vector_load %arg9[%get3A, %get3A_107] {strides = array<i32>} : memref<200x64xf32, #tpu.memory_space<vmem>>, vector<1x16xf32>,
        %get3A_109 = vector.shape_cast %get3A_108 : vector<1x16xf32> to vector<16xf32>
        %mul3A_110 = arith.constant 8.000000e+00 : f32
        %mul3A_111 = vector.broadcast %mul3A_110 : f32 to vector<16xf32>
        %mul3A_112 = arith.mulf %get3A_109, %mul3A_111 : vector<16xf32>
        %get3A_113 = arith.index_cast %scan3A_106 : i32 to index
        %get3A_114 = arith.constant 0 : index
        %get3A_115 = tpu.vector_load %arg7[%get3A_113, %get3A_114] {strides = array<i32>} : memref<200x64xf32, #tpu.memory_space<vmem>>, vector<1x16xf32>,
        %get3A_116 = vector.shape_cast %get3A_115 : vector<1x16xf32> to vector<16xf32>
        %add3A_117 = arith.addf %mul3A_112, %get3A_116 : vector<16xf32>
        %swap3A = arith.index_cast %scan3A_106 : i32 to index
        %swap3A_118 = arith.constant 0 : index
        %swap3A_119 = tpu.vector_load %arg11[%swap3A, %swap3A_118] {strides = array<i32>} : memref<200x64xf32, #tpu.memory_space<vmem>>, vector<1x16xf32>,
        %swap3A_120 = vector.shape_cast %swap3A_119 : vector<1x16xf32> to vector<16xf32>
        %swap3A_121 = vector.shape_cast %add3A_117 : vector<16xf32> to vector<1x16xf32>
        tpu.vector_store %arg11[%swap3A, %swap3A_118], %swap3A_121 {strides = array<i32>} : memref<200x64xf32, #tpu.memory_space<vmem>>, vector<1x16xf32>,
        %get3A_122 = arith.index_cast %scan3A_106 : i32 to index
        %get3A_123 = arith.constant 16 : index
        %get3A_124 = tpu.vector_load %arg9[%get3A_122, %get3A_123] {strides = array<i32>} : memref<200x64xf32, #tpu.memory_space<vmem>>, vector<1x16xf32>,
        %get3A_125 = vector.shape_cast %get3A_124 : vector<1x16xf32> to vector<16xf32>
        %mul3A_126 = arith.constant 8.000000e+00 : f32
        %mul3A_127 = vector.broadcast %mul3A_126 : f32 to vector<16xf32>
        %mul3A_128 = arith.mulf %get3A_125, %mul3A_127 : vector<16xf32>
        %get3A_129 = arith.index_cast %scan3A_106 : i32 to index
        %get3A_130 = arith.constant 16 : index
        %get3A_131 = tpu.vector_load %arg7[%get3A_129, %get3A_130] {strides = array<i32>} : memref<200x64xf32, #tpu.memory_space<vmem>>, vector<1x16xf32>,
        %get3A_132 = vector.shape_cast %get3A_131 : vector<1x16xf32> to vector<16xf32>
        %add3A_133 = arith.addf %mul3A_128, %get3A_132 : vector<16xf32>
        %swap3A_134 = arith.index_cast %scan3A_106 : i32 to index
        %swap3A_135 = arith.constant 16 : index
        %swap3A_136 = tpu.vector_load %arg11[%swap3A_134, %swap3A_135] {strides = array<i32>} : memref<200x64xf32, #tpu.memory_space<vmem>>, vector<1x16xf32>,
        %swap3A_137 = vector.shape_cast %swap3A_136 : vector<1x16xf32> to vector<16xf32>
        %swap3A_138 = vector.shape_cast %add3A_133 : vector<16xf32> to vector<1x16xf32>
        tpu.vector_store %arg11[%swap3A_134, %swap3A_135], %swap3A_138 {strides = array<i32>} : memref<200x64xf32, #tpu.memory_space<vmem>>, vector<1x16xf32>,
        %get3A_139 = arith.index_cast %scan3A_106 : i32 to index
        %get3A_140 = arith.constant 32 : index
        %get3A_141 = tpu.vector_load %arg9[%get3A_139, %get3A_140] {strides = array<i32>} : memref<200x64xf32, #tpu.memory_space<vmem>>, vector<1x16xf32>,
        %get3A_142 = vector.shape_cast %get3A_141 : vector<1x16xf32> to vector<16xf32>
        %mul3A_143 = arith.constant 8.000000e+00 : f32
        %mul3A_144 = vector.broadcast %mul3A_143 : f32 to vector<16xf32>
        %mul3A_145 = arith.mulf %get3A_142, %mul3A_144 : vector<16xf32>
        %get3A_146 = arith.index_cast %scan3A_106 : i32 to index
        %get3A_147 = arith.constant 32 : index
        %get3A_148 = tpu.vector_load %arg7[%get3A_146, %get3A_147] {strides = array<i32>} : memref<200x64xf32, #tpu.memory_space<vmem>>, vector<1x16xf32>,
        %get3A_149 = vector.shape_cast %get3A_148 : vector<1x16xf32> to vector<16xf32>
        %add3A_150 = arith.addf %mul3A_145, %get3A_149 : vector<16xf32>
        %swap3A_151 = arith.index_cast %scan3A_106 : i32 to index
        %swap3A_152 = arith.constant 32 : index
        %swap3A_153 = tpu.vector_load %arg11[%swap3A_151, %swap3A_152] {strides = array<i32>} : memref<200x64xf32, #tpu.memory_space<vmem>>, vector<1x16xf32>,
        %swap3A_154 = vector.shape_cast %swap3A_153 : vector<1x16xf32> to vector<16xf32>
        %swap3A_155 = vector.shape_cast %add3A_150 : vector<16xf32> to vector<1x16xf32>
        tpu.vector_store %arg11[%swap3A_151, %swap3A_152], %swap3A_155 {strides = array<i32>} : memref<200x64xf32, #tpu.memory_space<vmem>>, vector<1x16xf32>,
        %get3A_156 = arith.index_cast %scan3A_106 : i32 to index
        %get3A_157 = arith.constant 48 : index
        %get3A_158 = tpu.vector_load %arg9[%get3A_156, %get3A_157] {strides = array<i32>} : memref<200x64xf32, #tpu.memory_space<vmem>>, vector<1x16xf32>,
        %get3A_159 = vector.shape_cast %get3A_158 : vector<1x16xf32> to vector<16xf32>
        %mul3A_160 = arith.constant 8.000000e+00 : f32
        %mul3A_161 = vector.broadcast %mul3A_160 : f32 to vector<16xf32>
        %mul3A_162 = arith.mulf %get3A_159, %mul3A_161 : vector<16xf32>
        %get3A_163 = arith.index_cast %scan3A_106 : i32 to index
        %get3A_164 = arith.constant 48 : index
        %get3A_165 = tpu.vector_load %arg7[%get3A_163, %get3A_164] {strides = array<i32>} : memref<200x64xf32, #tpu.memory_space<vmem>>, vector<1x16xf32>,
        %get3A_166 = vector.shape_cast %get3A_165 : vector<1x16xf32> to vector<16xf32>
        %add3A_167 = arith.addf %mul3A_162, %get3A_166 : vector<16xf32>
        %swap3A_168 = arith.index_cast %scan3A_106 : i32 to index
        %swap3A_169 = arith.constant 48 : index
        %swap3A_170 = tpu.vector_load %arg11[%swap3A_168, %swap3A_169] {strides = array<i32>} : memref<200x64xf32, #tpu.memory_space<vmem>>, vector<1x16xf32>,
        %swap3A_171 = vector.shape_cast %swap3A_170 : vector<1x16xf32> to vector<16xf32>
        %swap3A_172 = vector.shape_cast %add3A_167 : vector<16xf32> to vector<1x16xf32>
        tpu.vector_store %arg11[%swap3A_168, %swap3A_169], %swap3A_172 {strides = array<i32>} : memref<200x64xf32, #tpu.memory_space<vmem>>, vector<1x16xf32>,
        %scan3A_173 = arith.constant 1 : i32
        %scan3A_174 = arith.addi %scan3A_106, %scan3A_173 : i32
        %get3A_175 = arith.index_cast %scan3A_174 : i32 to index
        %get3A_176 = arith.constant 0 : index
        %get3A_177 = tpu.vector_load %arg9[%get3A_175, %get3A_176] {strides = array<i32>} : memref<200x64xf32, #tpu.memory_space<vmem>>, vector<1x16xf32>,
        %get3A_178 = vector.shape_cast %get3A_177 : vector<1x16xf32> to vector<16xf32>
        %mul3A_179 = arith.constant 8.000000e+00 : f32
        %mul3A_180 = vector.broadcast %mul3A_179 : f32 to vector<16xf32>
        %mul3A_181 = arith.mulf %get3A_178, %mul3A_180 : vector<16xf32>
        %get3A_182 = arith.index_cast %scan3A_174 : i32 to index
        %get3A_183 = arith.constant 0 : index
        %get3A_184 = tpu.vector_load %arg7[%get3A_182, %get3A_183] {strides = array<i32>} : memref<200x64xf32, #tpu.memory_space<vmem>>, vector<1x16xf32>,
        %get3A_185 = vector.shape_cast %get3A_184 : vector<1x16xf32> to vector<16xf32>
        %add3A_186 = arith.addf %mul3A_181, %get3A_185 : vector<16xf32>
        %swap3A_187 = arith.index_cast %scan3A_174 : i32 to index
        %swap3A_188 = arith.constant 0 : index
        %swap3A_189 = tpu.vector_load %arg11[%swap3A_187, %swap3A_188] {strides = array<i32>} : memref<200x64xf32, #tpu.memory_space<vmem>>, vector<1x16xf32>,
        %swap3A_190 = vector.shape_cast %swap3A_189 : vector<1x16xf32> to vector<16xf32>
        %swap3A_191 = vector.shape_cast %add3A_186 : vector<16xf32> to vector<1x16xf32>
        tpu.vector_store %arg11[%swap3A_187, %swap3A_188], %swap3A_191 {strides = array<i32>} : memref<200x64xf32, #tpu.memory_space<vmem>>, vector<1x16xf32>,
        %get3A_192 = arith.index_cast %scan3A_174 : i32 to index
        %get3A_193 = arith.constant 16 : index
        %get3A_194 = tpu.vector_load %arg9[%get3A_192, %get3A_193] {strides = array<i32>} : memref<200x64xf32, #tpu.memory_space<vmem>>, vector<1x16xf32>,
        %get3A_195 = vector.shape_cast %get3A_194 : vector<1x16xf32> to vector<16xf32>
        %mul3A_196 = arith.constant 8.000000e+00 : f32
        %mul3A_197 = vector.broadcast %mul3A_196 : f32 to vector<16xf32>
        %mul3A_198 = arith.mulf %get3A_195, %mul3A_197 : vector<16xf32>
        %get3A_199 = arith.index_cast %scan3A_174 : i32 to index
        %get3A_200 = arith.constant 16 : index
        %get3A_201 = tpu.vector_load %arg7[%get3A_199, %get3A_200] {strides = array<i32>} : memref<200x64xf32, #tpu.memory_space<vmem>>, vector<1x16xf32>,
        %get3A_202 = vector.shape_cast %get3A_201 : vector<1x16xf32> to vector<16xf32>
        %add3A_203 = arith.addf %mul3A_198, %get3A_202 : vector<16xf32>
        %swap3A_204 = arith.index_cast %scan3A_174 : i32 to index
        %swap3A_205 = arith.constant 16 : index
        %swap3A_206 = tpu.vector_load %arg11[%swap3A_204, %swap3A_205] {strides = array<i32>} : memref<200x64xf32, #tpu.memory_space<vmem>>, vector<1x16xf32>,
        %swap3A_207 = vector.shape_cast %swap3A_206 : vector<1x16xf32> to vector<16xf32>
        %swap3A_208 = vector.shape_cast %add3A_203 : vector<16xf32> to vector<1x16xf32>
        tpu.vector_store %arg11[%swap3A_204, %swap3A_205], %swap3A_208 {strides = array<i32>} : memref<200x64xf32, #tpu.memory_space<vmem>>, vector<1x16xf32>,
        %get3A_209 = arith.index_cast %scan3A_174 : i32 to index
        %get3A_210 = arith.constant 32 : index
        %get3A_211 = tpu.vector_load %arg9[%get3A_209, %get3A_210] {strides = array<i32>} : memref<200x64xf32, #tpu.memory_space<vmem>>, vector<1x16xf32>,
        %get3A_212 = vector.shape_cast %get3A_211 : vector<1x16xf32> to vector<16xf32>
        %mul3A_213 = arith.constant 8.000000e+00 : f32
        %mul3A_214 = vector.broadcast %mul3A_213 : f32 to vector<16xf32>
        %mul3A_215 = arith.mulf %get3A_212, %mul3A_214 : vector<16xf32>
        %get3A_216 = arith.index_cast %scan3A_174 : i32 to index
        %get3A_217 = arith.constant 32 : index
        %get3A_218 = tpu.vector_load %arg7[%get3A_216, %get3A_217] {strides = array<i32>} : memref<200x64xf32, #tpu.memory_space<vmem>>, vector<1x16xf32>,
        %get3A_219 = vector.shape_cast %get3A_218 : vector<1x16xf32> to vector<16xf32>
        %add3A_220 = arith.addf %mul3A_215, %get3A_219 : vector<16xf32>
        %swap3A_221 = arith.index_cast %scan3A_174 : i32 to index
        %swap3A_222 = arith.constant 32 : index
        %swap3A_223 = tpu.vector_load %arg11[%swap3A_221, %swap3A_222] {strides = array<i32>} : memref<200x64xf32, #tpu.memory_space<vmem>>, vector<1x16xf32>,
        %swap3A_224 = vector.shape_cast %swap3A_223 : vector<1x16xf32> to vector<16xf32>
        %swap3A_225 = vector.shape_cast %add3A_220 : vector<16xf32> to vector<1x16xf32>
        tpu.vector_store %arg11[%swap3A_221, %swap3A_222], %swap3A_225 {strides = array<i32>} : memref<200x64xf32, #tpu.memory_space<vmem>>, vector<1x16xf32>,
        %get3A_226 = arith.index_cast %scan3A_174 : i32 to index
        %get3A_227 = arith.constant 48 : index
        %get3A_228 = tpu.vector_load %arg9[%get3A_226, %get3A_227] {strides = array<i32>} : memref<200x64xf32, #tpu.memory_space<vmem>>, vector<1x16xf32>,
        %get3A_229 = vector.shape_cast %get3A_228 : vector<1x16xf32> to vector<16xf32>
        %mul3A_230 = arith.constant 8.000000e+00 : f32
        %mul3A_231 = vector.broadcast %mul3A_230 : f32 to vector<16xf32>
        %mul3A_232 = arith.mulf %get3A_229, %mul3A_231 : vector<16xf32>
        %get3A_233 = arith.index_cast %scan3A_174 : i32 to index
        %get3A_234 = arith.constant 48 : index
        %get3A_235 = tpu.vector_load %arg7[%get3A_233, %get3A_234] {strides = array<i32>} : memref<200x64xf32, #tpu.memory_space<vmem>>, vector<1x16xf32>,
        %get3A_236 = vector.shape_cast %get3A_235 : vector<1x16xf32> to vector<16xf32>
        %add3A_237 = arith.addf %mul3A_232, %get3A_236 : vector<16xf32>
        %swap3A_238 = arith.index_cast %scan3A_174 : i32 to index
        %swap3A_239 = arith.constant 48 : index
        %swap3A_240 = tpu.vector_load %arg11[%swap3A_238, %swap3A_239] {strides = array<i32>} : memref<200x64xf32, #tpu.memory_space<vmem>>, vector<1x16xf32>,
        %swap3A_241 = vector.shape_cast %swap3A_240 : vector<1x16xf32> to vector<16xf32>
        %swap3A_242 = vector.shape_cast %add3A_237 : vector<16xf32> to vector<1x16xf32>
        tpu.vector_store %arg11[%swap3A_238, %swap3A_239], %swap3A_242 {strides = array<i32>} : memref<200x64xf32, #tpu.memory_space<vmem>>, vector<1x16xf32>,
        %scan3A_243 = arith.constant 2 : i32
        %scan3A_244 = arith.addi %scan3A_106, %scan3A_243 : i32
        %get3A_245 = arith.index_cast %scan3A_244 : i32 to index
        %get3A_246 = arith.constant 0 : index
        %get3A_247 = tpu.vector_load %arg9[%get3A_245, %get3A_246] {strides = array<i32>} : memref<200x64xf32, #tpu.memory_space<vmem>>, vector<1x16xf32>,
        %get3A_248 = vector.shape_cast %get3A_247 : vector<1x16xf32> to vector<16xf32>
        %mul3A_249 = arith.constant 8.000000e+00 : f32
        %mul3A_250 = vector.broadcast %mul3A_249 : f32 to vector<16xf32>
        %mul3A_251 = arith.mulf %get3A_248, %mul3A_250 : vector<16xf32>
        %get3A_252 = arith.index_cast %scan3A_244 : i32 to index
        %get3A_253 = arith.constant 0 : index
        %get3A_254 = tpu.vector_load %arg7[%get3A_252, %get3A_253] {strides = array<i32>} : memref<200x64xf32, #tpu.memory_space<vmem>>, vector<1x16xf32>,
        %get3A_255 = vector.shape_cast %get3A_254 : vector<1x16xf32> to vector<16xf32>
        %add3A_256 = arith.addf %mul3A_251, %get3A_255 : vector<16xf32>
        %swap3A_257 = arith.index_cast %scan3A_244 : i32 to index
        %swap3A_258 = arith.constant 0 : index
        %swap3A_259 = tpu.vector_load %arg11[%swap3A_257, %swap3A_258] {strides = array<i32>} : memref<200x64xf32, #tpu.memory_space<vmem>>, vector<1x16xf32>,
        %swap3A_260 = vector.shape_cast %swap3A_259 : vector<1x16xf32> to vector<16xf32>
        %swap3A_261 = vector.shape_cast %add3A_256 : vector<16xf32> to vector<1x16xf32>
        tpu.vector_store %arg11[%swap3A_257, %swap3A_258], %swap3A_261 {strides = array<i32>} : memref<200x64xf32, #tpu.memory_space<vmem>>, vector<1x16xf32>,
        %get3A_262 = arith.index_cast %scan3A_244 : i32 to index
        %get3A_263 = arith.constant 16 : index
        %get3A_264 = tpu.vector_load %arg9[%get3A_262, %get3A_263] {strides = array<i32>} : memref<200x64xf32, #tpu.memory_space<vmem>>, vector<1x16xf32>,
        %get3A_265 = vector.shape_cast %get3A_264 : vector<1x16xf32> to vector<16xf32>
        %mul3A_266 = arith.constant 8.000000e+00 : f32
        %mul3A_267 = vector.broadcast %mul3A_266 : f32 to vector<16xf32>
        %mul3A_268 = arith.mulf %get3A_265, %mul3A_267 : vector<16xf32>
        %get3A_269 = arith.index_cast %scan3A_244 : i32 to index
        %get3A_270 = arith.constant 16 : index
        %get3A_271 = tpu.vector_load %arg7[%get3A_269, %get3A_270] {strides = array<i32>} : memref<200x64xf32, #tpu.memory_space<vmem>>, vector<1x16xf32>,
        %get3A_272 = vector.shape_cast %get3A_271 : vector<1x16xf32> to vector<16xf32>
        %add3A_273 = arith.addf %mul3A_268, %get3A_272 : vector<16xf32>
        %swap3A_274 = arith.index_cast %scan3A_244 : i32 to index
        %swap3A_275 = arith.constant 16 : index
        %swap3A_276 = tpu.vector_load %arg11[%swap3A_274, %swap3A_275] {strides = array<i32>} : memref<200x64xf32, #tpu.memory_space<vmem>>, vector<1x16xf32>,
        %swap3A_277 = vector.shape_cast %swap3A_276 : vector<1x16xf32> to vector<16xf32>
        %swap3A_278 = vector.shape_cast %add3A_273 : vector<16xf32> to vector<1x16xf32>
        tpu.vector_store %arg11[%swap3A_274, %swap3A_275], %swap3A_278 {strides = array<i32>} : memref<200x64xf32, #tpu.memory_space<vmem>>, vector<1x16xf32>,
        %get3A_279 = arith.index_cast %scan3A_244 : i32 to index
        %get3A_280 = arith.constant 32 : index
        %get3A_281 = tpu.vector_load %arg9[%get3A_279, %get3A_280] {strides = array<i32>} : memref<200x64xf32, #tpu.memory_space<vmem>>, vector<1x16xf32>,
        %get3A_282 = vector.shape_cast %get3A_281 : vector<1x16xf32> to vector<16xf32>
        %mul3A_283 = arith.constant 8.000000e+00 : f32
        %mul3A_284 = vector.broadcast %mul3A_283 : f32 to vector<16xf32>
        %mul3A_285 = arith.mulf %get3A_282, %mul3A_284 : vector<16xf32>
        %get3A_286 = arith.index_cast %scan3A_244 : i32 to index
        %get3A_287 = arith.constant 32 : index
        %get3A_288 = tpu.vector_load %arg7[%get3A_286, %get3A_287] {strides = array<i32>} : memref<200x64xf32, #tpu.memory_space<vmem>>, vector<1x16xf32>,
        %get3A_289 = vector.shape_cast %get3A_288 : vector<1x16xf32> to vector<16xf32>
        %add3A_290 = arith.addf %mul3A_285, %get3A_289 : vector<16xf32>
        %swap3A_291 = arith.index_cast %scan3A_244 : i32 to index
        %swap3A_292 = arith.constant 32 : index
        %swap3A_293 = tpu.vector_load %arg11[%swap3A_291, %swap3A_292] {strides = array<i32>} : memref<200x64xf32, #tpu.memory_space<vmem>>, vector<1x16xf32>,
        %swap3A_294 = vector.shape_cast %swap3A_293 : vector<1x16xf32> to vector<16xf32>
        %swap3A_295 = vector.shape_cast %add3A_290 : vector<16xf32> to vector<1x16xf32>
        tpu.vector_store %arg11[%swap3A_291, %swap3A_292], %swap3A_295 {strides = array<i32>} : memref<200x64xf32, #tpu.memory_space<vmem>>, vector<1x16xf32>,
        %get3A_296 = arith.index_cast %scan3A_244 : i32 to index
        %get3A_297 = arith.constant 48 : index
        %get3A_298 = tpu.vector_load %arg9[%get3A_296, %get3A_297] {strides = array<i32>} : memref<200x64xf32, #tpu.memory_space<vmem>>, vector<1x16xf32>,
        %get3A_299 = vector.shape_cast %get3A_298 : vector<1x16xf32> to vector<16xf32>
        %mul3A_300 = arith.constant 8.000000e+00 : f32
        %mul3A_301 = vector.broadcast %mul3A_300 : f32 to vector<16xf32>
        %mul3A_302 = arith.mulf %get3A_299, %mul3A_301 : vector<16xf32>
        %get3A_303 = arith.index_cast %scan3A_244 : i32 to index
        %get3A_304 = arith.constant 48 : index
        %get3A_305 = tpu.vector_load %arg7[%get3A_303, %get3A_304] {strides = array<i32>} : memref<200x64xf32, #tpu.memory_space<vmem>>, vector<1x16xf32>,
        %get3A_306 = vector.shape_cast %get3A_305 : vector<1x16xf32> to vector<16xf32>
        %add3A_307 = arith.addf %mul3A_302, %get3A_306 : vector<16xf32>
        %swap3A_308 = arith.index_cast %scan3A_244 : i32 to index
        %swap3A_309 = arith.constant 48 : index
        %swap3A_310 = tpu.vector_load %arg11[%swap3A_308, %swap3A_309] {strides = array<i32>} : memref<200x64xf32, #tpu.memory_space<vmem>>, vector<1x16xf32>,
        %swap3A_311 = vector.shape_cast %swap3A_310 : vector<1x16xf32> to vector<16xf32>
        %swap3A_312 = vector.shape_cast %add3A_307 : vector<16xf32> to vector<1x16xf32>
        tpu.vector_store %arg11[%swap3A_308, %swap3A_309], %swap3A_312 {strides = array<i32>} : memref<200x64xf32, #tpu.memory_space<vmem>>, vector<1x16xf32>,
        %scan3A_313 = arith.constant 3 : i32
        %scan3A_314 = arith.addi %scan3A_106, %scan3A_313 : i32
        %get3A_315 = arith.index_cast %scan3A_314 : i32 to index
        %get3A_316 = arith.constant 0 : index
        %get3A_317 = tpu.vector_load %arg9[%get3A_315, %get3A_316] {strides = array<i32>} : memref<200x64xf32, #tpu.memory_space<vmem>>, vector<1x16xf32>,
        %get3A_318 = vector.shape_cast %get3A_317 : vector<1x16xf32> to vector<16xf32>
        %mul3A_319 = arith.constant 8.000000e+00 : f32
        %mul3A_320 = vector.broadcast %mul3A_319 : f32 to vector<16xf32>
        %mul3A_321 = arith.mulf %get3A_318, %mul3A_320 : vector<16xf32>
        %get3A_322 = arith.index_cast %scan3A_314 : i32 to index
        %get3A_323 = arith.constant 0 : index
        %get3A_324 = tpu.vector_load %arg7[%get3A_322, %get3A_323] {strides = array<i32>} : memref<200x64xf32, #tpu.memory_space<vmem>>, vector<1x16xf32>,
        %get3A_325 = vector.shape_cast %get3A_324 : vector<1x16xf32> to vector<16xf32>
        %add3A_326 = arith.addf %mul3A_321, %get3A_325 : vector<16xf32>
        %swap3A_327 = arith.index_cast %scan3A_314 : i32 to index
        %swap3A_328 = arith.constant 0 : index
        %swap3A_329 = tpu.vector_load %arg11[%swap3A_327, %swap3A_328] {strides = array<i32>} : memref<200x64xf32, #tpu.memory_space<vmem>>, vector<1x16xf32>,
        %swap3A_330 = vector.shape_cast %swap3A_329 : vector<1x16xf32> to vector<16xf32>
        %swap3A_331 = vector.shape_cast %add3A_326 : vector<16xf32> to vector<1x16xf32>
        tpu.vector_store %arg11[%swap3A_327, %swap3A_328], %swap3A_331 {strides = array<i32>} : memref<200x64xf32, #tpu.memory_space<vmem>>, vector<1x16xf32>,
        %get3A_332 = arith.index_cast %scan3A_314 : i32 to index
        %get3A_333 = arith.constant 16 : index
        %get3A_334 = tpu.vector_load %arg9[%get3A_332, %get3A_333] {strides = array<i32>} : memref<200x64xf32, #tpu.memory_space<vmem>>, vector<1x16xf32>,
        %get3A_335 = vector.shape_cast %get3A_334 : vector<1x16xf32> to vector<16xf32>
        %mul3A_336 = arith.constant 8.000000e+00 : f32
        %mul3A_337 = vector.broadcast %mul3A_336 : f32 to vector<16xf32>
        %mul3A_338 = arith.mulf %get3A_335, %mul3A_337 : vector<16xf32>
        %get3A_339 = arith.index_cast %scan3A_314 : i32 to index
        %get3A_340 = arith.constant 16 : index
        %get3A_341 = tpu.vector_load %arg7[%get3A_339, %get3A_340] {strides = array<i32>} : memref<200x64xf32, #tpu.memory_space<vmem>>, vector<1x16xf32>,
        %get3A_342 = vector.shape_cast %get3A_341 : vector<1x16xf32> to vector<16xf32>
        %add3A_343 = arith.addf %mul3A_338, %get3A_342 : vector<16xf32>
        %swap3A_344 = arith.index_cast %scan3A_314 : i32 to index
        %swap3A_345 = arith.constant 16 : index
        %swap3A_346 = tpu.vector_load %arg11[%swap3A_344, %swap3A_345] {strides = array<i32>} : memref<200x64xf32, #tpu.memory_space<vmem>>, vector<1x16xf32>,
        %swap3A_347 = vector.shape_cast %swap3A_346 : vector<1x16xf32> to vector<16xf32>
        %swap3A_348 = vector.shape_cast %add3A_343 : vector<16xf32> to vector<1x16xf32>
        tpu.vector_store %arg11[%swap3A_344, %swap3A_345], %swap3A_348 {strides = array<i32>} : memref<200x64xf32, #tpu.memory_space<vmem>>, vector<1x16xf32>,
        %get3A_349 = arith.index_cast %scan3A_314 : i32 to index
        %get3A_350 = arith.constant 32 : index
        %get3A_351 = tpu.vector_load %arg9[%get3A_349, %get3A_350] {strides = array<i32>} : memref<200x64xf32, #tpu.memory_space<vmem>>, vector<1x16xf32>,
        %get3A_352 = vector.shape_cast %get3A_351 : vector<1x16xf32> to vector<16xf32>
        %mul3A_353 = arith.constant 8.000000e+00 : f32
        %mul3A_354 = vector.broadcast %mul3A_353 : f32 to vector<16xf32>
        %mul3A_355 = arith.mulf %get3A_352, %mul3A_354 : vector<16xf32>
        %get3A_356 = arith.index_cast %scan3A_314 : i32 to index
        %get3A_357 = arith.constant 32 : index
        %get3A_358 = tpu.vector_load %arg7[%get3A_356, %get3A_357] {strides = array<i32>} : memref<200x64xf32, #tpu.memory_space<vmem>>, vector<1x16xf32>,
        %get3A_359 = vector.shape_cast %get3A_358 : vector<1x16xf32> to vector<16xf32>
        %add3A_360 = arith.addf %mul3A_355, %get3A_359 : vector<16xf32>
        %swap3A_361 = arith.index_cast %scan3A_314 : i32 to index
        %swap3A_362 = arith.constant 32 : index
        %swap3A_363 = tpu.vector_load %arg11[%swap3A_361, %swap3A_362] {strides = array<i32>} : memref<200x64xf32, #tpu.memory_space<vmem>>, vector<1x16xf32>,
        %swap3A_364 = vector.shape_cast %swap3A_363 : vector<1x16xf32> to vector<16xf32>
        %swap3A_365 = vector.shape_cast %add3A_360 : vector<16xf32> to vector<1x16xf32>
        tpu.vector_store %arg11[%swap3A_361, %swap3A_362], %swap3A_365 {strides = array<i32>} : memref<200x64xf32, #tpu.memory_space<vmem>>, vector<1x16xf32>,
        %get3A_366 = arith.index_cast %scan3A_314 : i32 to index
        %get3A_367 = arith.constant 48 : index
        %get3A_368 = tpu.vector_load %arg9[%get3A_366, %get3A_367] {strides = array<i32>} : memref<200x64xf32, #tpu.memory_space<vmem>>, vector<1x16xf32>,
        %get3A_369 = vector.shape_cast %get3A_368 : vector<1x16xf32> to vector<16xf32>
        %mul3A_370 = arith.constant 8.000000e+00 : f32
        %mul3A_371 = vector.broadcast %mul3A_370 : f32 to vector<16xf32>
        %mul3A_372 = arith.mulf %get3A_369, %mul3A_371 : vector<16xf32>
        %get3A_373 = arith.index_cast %scan3A_314 : i32 to index
        %get3A_374 = arith.constant 48 : index
        %get3A_375 = tpu.vector_load %arg7[%get3A_373, %get3A_374] {strides = array<i32>} : memref<200x64xf32, #tpu.memory_space<vmem>>, vector<1x16xf32>,
        %get3A_376 = vector.shape_cast %get3A_375 : vector<1x16xf32> to vector<16xf32>
        %add3A_377 = arith.addf %mul3A_372, %get3A_376 : vector<16xf32>
        %swap3A_378 = arith.index_cast %scan3A_314 : i32 to index
        %swap3A_379 = arith.constant 48 : index
        %swap3A_380 = tpu.vector_load %arg11[%swap3A_378, %swap3A_379] {strides = array<i32>} : memref<200x64xf32, #tpu.memory_space<vmem>>, vector<1x16xf32>,
        %swap3A_381 = vector.shape_cast %swap3A_380 : vector<1x16xf32> to vector<16xf32>
        %swap3A_382 = vector.shape_cast %add3A_377 : vector<16xf32> to vector<1x16xf32>
        tpu.vector_store %arg11[%swap3A_378, %swap3A_379], %swap3A_382 {strides = array<i32>} : memref<200x64xf32, #tpu.memory_space<vmem>>, vector<1x16xf32>,
      }
      %scan3A_89 = arith.constant 200 : i32
      %add3A_90 = arith.constant 2 : i32
      %add3A_91 = arith.addi %add3A_73, %add3A_90 : i32
      %lt3A_92 = arith.constant 128 : i32
      %lt3A_93 = arith.cmpi slt, %add3A_91, %lt3A_92 : i32
      %convert_element_type3A_94 = arith.extui %lt3A_93 : i1 to i32
      %cond3A_95 = arith.constant 0 : i32
      %cond3A_96 = arith.cmpi ne, %convert_element_type3A_94, %cond3A_95 : i32
      scf.if %cond3A_96 {
        %add3A_106 = arith.constant 2 : i32
        %add3A_107 = arith.addi %add3A_73, %add3A_106 : i32
        %mul3A_108 = arith.constant 200 : i32
        %mul3A_109 = arith.muli %add3A_107, %mul3A_108 : i32
        %dma_start3A_110 = tpu.memref_slice %arg6[%mul3A_109] : memref<25600xi32, #tpu.memory_space<vmem>> -> memref<200xi32, #tpu.memory_space<vmem>>
        %dma_start3A_111 = arith.constant 0 : i32
        %dma_start3A_112 = arith.constant 0 : i32
        %dma_start3A_113 = tpu.memref_slice %arg3[%dma_start3A_111, %dma_start3A_112] : memref<1000000x64xf32, #tpu.memory_space<hbm>> -> memref<1000000x64xf32, #tpu.memory_space<hbm>>
        tpu.enqueue_indirect_dma source(%dma_start3A_113 : memref<1000000x64xf32, #tpu.memory_space<hbm>>) target(%arg9 : memref<200x64xf32, #tpu.memory_space<vmem>>) offsets(%dma_start3A_110 : memref<200xi32, #tpu.memory_space<vmem>>) semaphore(%arg13 : memref<!tpu.dma_semaphore, #tpu.memory_space<semaphore_mem>>)
      } else {
      }
      %add3A_97 = arith.addi %mul3A_2, %add3A_73 : i32
      %dma_start3A_98 = arith.constant 0 : i32
      %dma_start3A_99 = arith.constant 0 : i32
      %dma_start3A_100 = tpu.memref_slice %arg5[%add3A_97, %dma_start3A_98, %dma_start3A_99] : memref<4096x200x64xf32, #tpu.memory_space<hbm>> -> memref<1x200x64xf32, #tpu.memory_space<hbm>>
      %dma_start3A_101 = tpu.memref_squeeze %dma_start3A_100 : memref<1x200x64xf32, #tpu.memory_space<hbm>> -> memref<200x64xf32, #tpu.memory_space<hbm>>
      %dma_start3A_102 = arith.constant 0 : i32
      %dma_start3A_103 = arith.constant 0 : i32
      %dma_start3A_104 = tpu.memref_slice %arg5[%add3A_97, %dma_start3A_102, %dma_start3A_103] : memref<4096x200x64xf32, #tpu.memory_space<hbm>> -> memref<1x200x64xf32, #tpu.memory_space<hbm>>
      %dma_start3A_105 = tpu.memref_squeeze %dma_start3A_104 : memref<1x200x64xf32, #tpu.memory_space<hbm>> -> memref<200x64xf32, #tpu.memory_space<hbm>>
      tpu.enqueue_dma source(%arg11 : memref<200x64xf32, #tpu.memory_space<vmem>>) target(%dma_start3A_105 : memref<200x64xf32, #tpu.memory_space<hbm>>) target_semaphore(%arg15 : memref<!tpu.dma_semaphore, #tpu.memory_space<semaphore_mem>>)
    }
    %scan3A_17 = arith.constant 64 : i32
    %add3A_18 = arith.constant 126 : i32
    %add3A_19 = arith.addi %mul3A_2, %add3A_18 : i32
    %dma_wait3A = arith.constant 0 : i32
    %dma_wait3A_20 = arith.constant 0 : i32
    %dma_wait3A_21 = tpu.memref_slice %arg5[%add3A_19, %dma_wait3A, %dma_wait3A_20] : memref<4096x200x64xf32, #tpu.memory_space<hbm>> -> memref<1x200x64xf32, #tpu.memory_space<hbm>>
    %dma_wait3A_22 = tpu.memref_squeeze %dma_wait3A_21 : memref<1x200x64xf32, #tpu.memory_space<hbm>> -> memref<200x64xf32, #tpu.memory_space<hbm>>
    %dma_wait3A_23 = arith.constant 0 : i32
    %dma_wait3A_24 = arith.constant 0 : i32
    %dma_wait3A_25 = tpu.memref_slice %arg5[%add3A_19, %dma_wait3A_23, %dma_wait3A_24] : memref<4096x200x64xf32, #tpu.memory_space<hbm>> -> memref<1x200x64xf32, #tpu.memory_space<hbm>>
    %dma_wait3A_26 = tpu.memref_squeeze %dma_wait3A_25 : memref<1x200x64xf32, #tpu.memory_space<hbm>> -> memref<200x64xf32, #tpu.memory_space<hbm>>
    tpu.wait_dma2 semaphore(%arg14 : memref<!tpu.dma_semaphore, #tpu.memory_space<semaphore_mem>>) src(%arg10 : memref<200x64xf32, #tpu.memory_space<vmem>>) dst(%dma_wait3A_26 : memref<200x64xf32, #tpu.memory_space<hbm>>)
    %add3A_27 = arith.constant 127 : i32
    %add3A_28 = arith.addi %mul3A_2, %add3A_27 : i32
    %dma_wait3A_29 = arith.constant 0 : i32
    %dma_wait3A_30 = arith.constant 0 : i32
    %dma_wait3A_31 = tpu.memref_slice %arg5[%add3A_28, %dma_wait3A_29, %dma_wait3A_30] : memref<4096x200x64xf32, #tpu.memory_space<hbm>> -> memref<1x200x64xf32, #tpu.memory_space<hbm>>
    %dma_wait3A_32 = tpu.memref_squeeze %dma_wait3A_31 : memref<1x200x64xf32, #tpu.memory_space<hbm>> -> memref<200x64xf32, #tpu.memory_space<hbm>>
    %dma_wait3A_33 = arith.constant 0 : i32
    %dma_wait3A_34 = arith.constant 0 : i32
    %dma_wait3A_35 = tpu.memref_slice %arg5[%add3A_28, %dma_wait3A_33, %dma_wait3A_34] : memref<4096x200x64xf32, #tpu.memory_space<hbm>> -> memref<1x200x64xf32, #tpu.memory_space<hbm>>
    %dma_wait3A_36 = tpu.memref_squeeze %dma_wait3A_35 : memref<1x200x64xf32, #tpu.memory_space<hbm>> -> memref<200x64xf32, #tpu.memory_space<hbm>>
    tpu.wait_dma2 semaphore(%arg15 : memref<!tpu.dma_semaphore, #tpu.memory_space<semaphore_mem>>) src(%arg11 : memref<200x64xf32, #tpu.memory_space<vmem>>) dst(%dma_wait3A_36 : memref<200x64xf32, #tpu.memory_space<hbm>>)
    return
  }
}

</mosaic_0001>

<sc_bundles>
// kernel: kernel.3.cloned.1.call-start
scs
__scs_entry_jumppad:
0x0: {  	(pc) =	sbr.rel $0x88, $3  }
0x1: {  	(tag) =	ssettag $0x0;
	lr =	simm.s32 $0x1  }
0x2: {  	[smem:$0x3F9E] =	sst lr;
	_ =	strace $0xD0000000  }
0x3: {  	_ = 	snop  }
0x4: {  	_ = 	snop  }
0x5: {  	_ = 	snop  }
0x6: {  	_ = 	snop  }
0x7: {  	_ = 	snop  }
__scs_overlays_trampoline_lowered:
0x8: {  	[smem:$0x3FAD] =	sst s0  }
0x9: {  	[smem:$0x3FAE] =	sst s1  }
0xa: {  	[smem:$0x3FAF] =	sst s2  }
0xb: {  	[smem:$0x3FB0] =	sst s3  }
0xc: {  	[smem:$0x3FB1] =	sst s4  }
0xd: {  	[smem:$0x3FB2] =	sst s5  }
0xe: {  	[smem:$0x3FB3] =	sst s6  }
0xf: {  	[smem:$0x3FB4] =	sst s7  }
0x10: {  	[smem:$0x3FB5] =	sst s8  }
0x11: {  	[smem:$0x3FB6] =	sst s9;
	s0 =	simm.s32 @!p0 $0x0  }
0x12: {  	s1 =	sld [smem:$0x3F9C];
	s0 =	simm.s32 @p0 $0x1  }
0x13: {  	[smem:$0x3FB7] =	sst s0;
	s0 =	simm.s32 @!p1 $0x0  }
0x14: {  	s2 =	sld [smem:$0x3F9B];
	s0 =	simm.s32 @p1 $0x1  }
0x15: {  	[smem:$0x3FB8] =	sst s0;
	s0 =	simm.s32 @!p2 $0x0  }
0x16: {  	s3 =	sld [smem:$0x3FDB];
	s0 =	simm.s32 @p2 $0x1  }
0x17: {  	s4 =	simm.s32 $0x1BF5;
	[smem:$0x3FBA] =	sst s0  }
0x18: {  	s0 =	sld [smem:$0x3F9D];
	_ =	swait.ge [sflag:s4], $0x0  }
0x19: {  	s7 =	sld [smem:$0x3F9E]  }
0x1a: {  	s8 =	sadd.s32 $0xFFFFE003, lr  }
0x1b: {  	s9 =	sadd.s32 $0xFFFFFEF7, lr;
	s5 =	simm.s32 $0xFFFFFFFF;
	p2 =	slt.u32 s8, $0xFFFFF086  }
0x1c: {  	p1 =	slt.u32 s9, $0xF7A;
	s5 =	simm.s32 @!p2 $0x0  }
0x1d: {  	s5 =	simm.s32 @p1 $0x1;
	p0 =	seq.s32 s7, s2  }
0x1e: {  	s7 =	smul.u32 @!p0 $0xF7A, s2;
	p2 =	seq.s32 @!p0 s5, $0x0  }
0x1f: {  	s9 =	smul.u32 $0xF7A, s1;
	s8 =	simm.s32 @!p0 $0x1BF5;
	p2 =	por !p2, p0  }
0x20: {  	[sflag:s8] =	ssyncset.s32 @!p0 $0xFFFFF086;
	s6 =	sadd.s32 @!p0 s3, s7;
	s7 =	simm.s32 @!p0 $0x108  }
0x21: {  	s3 =	sadd.s32 s3, s9;
	s6 =	sadd.s32 @!p0 $0x88, s6;
	s7 =	simm.s32 @p2 $0x1082  }
0x22: {  	[simem:s7], [sflag:s8] =	dma.local @!p0 [hbm:s6], $0xF7A  }
0x23: {  	s9 =	sor.u32 $0xD0000000, s2;
	s6 =	simm.s32 $0x108;
	_ =	swait.ge @!p0 [sflag:s8], $0x0  }
0x24: {  	s3 =	sadd.s32 $0x88, s3;
	s6 =	simm.s32 @!p1 $0x1082;
	[sflag:s4] =	ssyncset.s32 $0xFFFFF086  }
0x25: {  	[simem:s6], [sflag:s4] =	dma.local [hbm:s3], $0xF7A  }
0x26: {  	[smem:$0x3F9E] =	sst s1;
	(tag) =	ssettag s2;
	_ =	strace s9  }
0x27: {  	s1 =	sld [smem:$0x3FAE]  }
0x28: {  	s2 =	sld [smem:$0x3FAF]  }
0x29: {  	s4 =	sld [smem:$0x3FB1]  }
0x2a: {  	p0 =	seq.s32 s5, $0x0;
	s5 =	sld [smem:$0x3FB2]  }
0x2b: {  	s6 =	sld [smem:$0x3FB3]  }
0x2c: {  	s7 =	sld [smem:$0x3FB4]  }
0x2d: {  	s3 =	simm.s32 $0x108;
	s8 =	sld [smem:$0x3FB5]  }
0x2e: {  	s3 =	simm.s32 @!p0 $0x1082;
	s9 =	sld [smem:$0x3FB6]  }
0x2f: {  	lr =	sadd.s32 s0, s3;
	s0 =	sld [smem:$0x3FAD]  }
0x30: {  	s3 =	sld [smem:$0x3FB0]  }
0x31: {  	[smem:$0x3FB9] =	sst s10  }
0x32: {  	s10 =	sld [smem:$0x3FB7];
	_ =	sdelay $0x3  }
0x33: {  	p0 =	seq.s32 s10, $0x1;
	s10 =	sld [smem:$0x3FB9];
	_ =	sdelay $0x3  }
0x34: {  	[smem:$0x3FB9] =	sst s10  }
0x35: {  	s10 =	sld [smem:$0x3FB8];
	_ =	sdelay $0x3  }
0x36: {  	p1 =	seq.s32 s10, $0x1;
	s10 =	sld [smem:$0x3FB9];
	_ =	sdelay $0x3  }
0x37: {  	[smem:$0x3FB9] =	sst s10  }
0x38: {  	s10 =	sld [smem:$0x3FBA]  }
0x39: {  	_ = 	snop;
	(pc) =	sbr.ind lr, $3  }
0x3a: {  	_ = 	snop  }
0x3b: {  	_ = 	snop  }
0x3c: {  	p2 =	seq.s32 s10, $0x1;
	s10 =	sld [smem:$0x3FB9]  }
0x3d: {  	_ =	shalt  }
0x3e: {  	_ =	shalt  }
0x3f: {  	_ =	shalt  }
0x40: {  	_ =	shalt  }
0x41: {  	_ =	shalt  }
0x42: {  	_ =	shalt  }
0x43: {  	_ =	shalt  }
0x44: {  	_ =	shalt  }
0x45: {  	_ =	shalt  }
0x46: {  	_ =	shalt  }
0x47: {  	_ =	shalt  }
0x48: {  	_ =	shalt  }
0x49: {  	_ =	shalt  }
0x4a: {  	_ =	shalt  }
0x4b: {  	_ =	shalt  }
0x4c: {  	_ =	shalt  }
0x4d: {  	_ =	shalt  }
0x4e: {  	_ =	shalt  }
0x4f: {  	_ =	shalt  }
0x50: {  	_ =	shalt  }
0x51: {  	_ =	shalt  }
0x52: {  	_ =	shalt  }
0x53: {  	_ =	shalt  }
0x54: {  	_ =	shalt  }
0x55: {  	_ =	shalt  }
0x56: {  	_ =	shalt  }
0x57: {  	_ =	shalt  }
0x58: {  	_ =	shalt  }
0x59: {  	_ =	shalt  }
0x5a: {  	_ =	shalt  }
0x5b: {  	_ =	shalt  }
0x5c: {  	_ =	shalt  }
0x5d: {  	_ =	shalt  }
0x5e: {  	_ =	shalt  }
0x5f: {  	_ =	shalt  }
0x60: {  	_ =	shalt  }
0x61: {  	_ =	shalt  }
0x62: {  	_ =	shalt  }
0x63: {  	_ =	shalt  }
0x64: {  	_ =	shalt  }
0x65: {  	_ =	shalt  }
0x66: {  	_ =	shalt  }
0x67: {  	_ =	shalt  }
0x68: {  	_ =	shalt  }
0x69: {  	_ =	shalt  }
0x6a: {  	_ =	shalt  }
0x6b: {  	_ =	shalt  }
0x6c: {  	_ =	shalt  }
0x6d: {  	_ =	shalt  }
0x6e: {  	_ =	shalt  }
0x6f: {  	_ =	shalt  }
0x70: {  	_ =	shalt  }
0x71: {  	_ =	shalt  }
0x72: {  	_ =	shalt  }
0x73: {  	_ =	shalt  }
0x74: {  	_ =	shalt  }
0x75: {  	_ =	shalt  }
0x76: {  	_ =	shalt  }
0x77: {  	_ =	shalt  }
0x78: {  	_ =	shalt  }
0x79: {  	_ =	shalt  }
0x7a: {  	_ =	shalt  }
0x7b: {  	_ =	shalt  }
0x7c: {  	_ =	shalt  }
0x7d: {  	_ =	shalt  }
0x7e: {  	_ =	shalt  }
0x7f: {  	_ =	shalt  }
0x80: {  	_ =	shalt  }
0x81: {  	_ =	shalt  }
0x82: {  	_ =	shalt  }
0x83: {  	_ =	shalt  }
0x84: {  	_ =	shalt  }
0x85: {  	_ =	shalt  }
0x86: {  	_ =	shalt  }
0x87: {  	_ =	shalt  }
.Lfunc_end0:
.L_simem_size_0:
called_computation.1_lowered:
.L_overlay_start_0:
0x88: {  	s2 =	sld [smem:$0x3FD9]  }
0x89: {  	s3 =	sld [smem:$0x3FFE];
	_ =	sdelay $0x1  }
0x8a: {  	s1 =	srdreg.scid  }
0x8b: {  	s0 =	sand.u32 $0x1, s1  }
0x8c: {  	s17 =	sshll.u32 s0, $0xA;
	s2 =	sadd.s32 s3, s2  }
0x8d: {  	s2 =	sadd.s32 s2, s17  }
0x8e: {  	[smem:$0x3FC5] =	sst s2  }
0x8f: {  	_ = 	snop  }
0x90: {  	s2 =	sld [smem:$0x3FD0];
	(tm) =	ssettm $0x1  }
0x91: {  	s18 =	sld [smem:$0x3FFB];
	_ =	sdelay $0x3  }
0x92: {  	_ =	strace s18  }
0x93: {  	s3 =	sld [smem:$0x3FFC];
	_ =	sdelay $0x3  }
0x94: {  	_ =	strace s3  }
0x95: {  	s3 =	sld [smem:$0x3FFD];
	_ =	sdelay $0x3  }
0x96: {  	_ =	strace s3  }
0x97: {  	_ =	strace $0x8FFFFFFF  }
0x98: {  	s19 =	sld [smem:$0x3FDB];
	_ =	sdelay $0x1  }
0x99: {  	s4 =	simm.s32 $_scs_section_size  }
0x9a: {  	s5 =	simm.s32 $_size__tile_overlayer_lowered;
	s6 =	simm.s32 $_tile_overlayer_lowered  }
0x9b: {  	s22 =	simm.s32 $0x1BFF;
	s21 =	sshll.u32 s6, $0x1;
	s3 =	sadd.s32 s4, s19  }
0x9c: {  	s7 =	simm.s32 $0x0;
	s20 =	sshll.u32 s5, $0x1;
	s5 =	sadd.s32 s21, s3  }
0x9d: {  	[timem:s7], [sflag:s22] =	dma.local [hbm:s5], s20  }
0x9e: {  	_ =	swait.ge [sflag:s22], s20  }
0x9f: {  	s4 =	ssub.s32 $0x0, s20;
	[sflag:s22] =	ssyncset.done $0x0  }
0xa0: {  	[sflag:s22] =	ssyncadd.s32 s4;
	_ =	sdelay $0x1  }
0xa1: {  	s23 =	simm.s32 $0x1B8B  }
0xa2: {  	_ =	swait.ge [sflag:s23], $0x1  }
0xa3: {  	[sflag:s23] =	ssyncset.done $0x0  }
0xa4: {  	s25 =	simm.s32 $0x1B8E;
	s24 =	sld [smem:$0x3FFE];
	[sflag:s23] =	ssyncadd.s32 $0xFFFFFFFF  }
0xa5: {  	s26 =	simm.s32 $execute0_lowered;
	[smem:$0x3FD2] =	sst s25  }
0xa6: {  	s5 =	sshll.u32 s26, $0x1;
	_ =	strace $0x80000046;
	[dreg:$0x1] =	wrdreg $0xFFFFFFFF  }
0xa7: {  	s28 =	simm.s32 $_size_execute0_lowered;
	s3 =	sadd.s32 s3, s5;
	[dreg:$0x0] =	wrdreg $0x0  }
0xa8: {  	s5 =	sshll.u32 s28, $0x1;
	[dreg:$0x2] =	wrdreg s3  }
0xa9: {  	[dreg:$0x3] =	wrdreg s5  }
0xaa: {  	[dreg:$0x4] =	wrdreg $0xC0  }
0xab: {  	_ =	task [dreg:s7], $0x5FFFF  }
0xac: {  	[dreg:$0x1] =	wrdreg $0xFFFFFFFF  }
0xad: {  	[dreg:$0x0] =	wrdreg $0x60  }
0xae: {  	[dreg:$0x2] =	wrdreg s24  }
0xaf: {  	[dreg:$0x3] =	wrdreg s2  }
0xb0: {  	[dreg:$0x4] =	wrdreg $0x9  }
0xb1: {  	_ =	task.clear_ibuf [dreg:s7], $0x5FFFF;
	_ =	strace $0x90000046  }
0xb2: {  	s29 =	simm.s32 $0x9;
	_ =	strace $0x80000048  }
0xb3: {  	_ =	swait.ge [sflag:s29], $0x1  }
0xb4: {  	[sflag:s29] =	ssyncadd.s32 $0xFFFFFFFF  }
0xb5: {  	_ =	strace $0x90000048  }
0xb6: {  	_ =	sfence  }
0xb7: {  	s30 =	sld [smem:$0x0];
	_ =	sdelay $0x2  }
0xb8: {  	s31 =	sshll.u32 s1, $0xD;
	s1 =	sshrl.u32 s1, $0x2  }
0xb9: {  	s3 =	sand.u32 $0x4000, s31;
	s1 =	sadd.s32 s1, s30  }
0xba: {  	s0 =	sor.u32 s3, s0;
	s1 =	sshll.u32 s1, $0x11  }
0xbb: {  	s0 =	sor.u32 s1, s0  }
0xbc: {  	s0 =	sadd.s32 $0x8F2B, s0  }
0xbd: {  	[sflag:s0] =	ssyncadd.remote.s32 $0x1  }
0xbe: {  	_ =	sfence.sel $0xFFFF  }
0xbf: {  	[dreg:$0x0] =	wrdreg $0xFFFFFFFF;
	(pc) =	sbr.abs _section_cstart, $3  }
0xc0: {  	[dreg:$0x1] =	wrdreg $0xFFFFFFFF  }
0xc1: {  	_ =	task.clear_ibuf [dreg:s7], $0x2FFFF;
	_ =	strace $0x9FFFFFFF  }
0xc2: {  	(tm) =	ssettm $0x7FFFFFFF  }
0xc3: {  	_ =	shalt  }
tec
execute0_lowered:
.L_overlay_start_1:
0x0: {  	(tag) =	ssettag $0x1  }
0x1: {  	s1 =	srdreg.scid  }
0x2: {  	s0 =	stileid.u32;
	s5 =	rddreg [dreg:$0x0]  }
0x3: {  	s2 =	rddreg [dreg:$0x1];
	s3 =	simm.s32 $0x0;
	s10 =	simm.s32 $0x5  }
0x4: {  	s11 =	simm.s32 $0xC8;
	s12 =	simm.s32 $0x9600;
	s13 =	simm.s32 $0xC800  }
0x5: {  	s14 =	simm.s32 $0x1;
	s15 =	simm.s32 $0xFA00;
	s16 =	simm.s32 $0x2  }
0x6: {  	s17 =	simm.s32 $0x12C00;
	s18 =	simm.s32 $0x3;
	s19 =	simm.s32 $0x4  }
0x7: {  	s4 =	sand.u32 $0x1, s1;
	s31 =	sshll.u32 s0, $0x1;
	s1 =	rddreg [dreg:$0x2]  }
0x8: {  	s20 =	simm.s32 $0x0;
	[smem:$0x7FF] =	sst s3;
	s6 =	sor.u32 s4, s31  }
0x9: {  	s8 =	ssub.s32 $0x2, s4;
	_ =	strace $0x80000047;
	s7 =	smul.u32 $0xC80, s6  }
0xa: {  	s4 =	sadd.s32 $0xF43000, s5;
	s9 =	sshrl.u32 s8, $0x1;
	s6 =	sshll.u32 s6, $0x7  }
0xb: {  	s8 =	ssub.s32 s8, s9;
	s9 =	simm.s32 $0x6400;
	s7 =	sadd.s32 s7, s5  }
0xc: {  	s5 =	sadd.s32 $0x19C00, s5;
	s8 =	smax.u32 s8, $0x1;
	s7 =	sadd.s32 $0xC00, s7  }
.LBB2_1:
0xd: {  	[tilespmem:s9], [sflag:$0x5] =	stream.linear.gather [hbm4b:s5+s3], $0x3200, $0x38;
	[tilespmem:$0x15E00] =	vst v63  }
0xe: {  	_ =	swait.ge [sflag:s10], $0x3200  }
0xf: {  	[sflag:s10] =	ssyncset.done $0x0  }
0x10: {  	[sflag:s10] =	ssyncadd.s32 $0xFFFFCE00  }
0x11: {  	[tilespmem:s3], [sflag:$0x5] =	stream.linear.gather [hbm4b:s7+s3], $0x6400, $0x38;
	[tilespmem:$0x15E00] =	vst v63  }
0x12: {  	_ =	swait.ge [sflag:s10], $0x6400  }
0x13: {  	[sflag:s10] =	ssyncset.done $0x0  }
0x14: {  	[sflag:s10] =	ssyncadd.s32 $0xFFFF9C00  }
0x15: {  	[tilespmem:s12], [sflag:$0x1] =	stream.indirect.gather [hbm4b:s4+s11], $0x40, s3, s11, $0xb8;
	[tilespmem:$0x15E00] =	vst v63  }
0x16: {  	s21 =	simm.s32 $0x0  }
0x17: {  	[tilespmem:s13], [sflag:$0x2] =	stream.indirect.gather [hbm4b:s4+s11], $0x40, s11, s11, $0xb8;
	[tilespmem:$0x15E00] =	vst v63  }
.LBB2_2:
0x18: {  	_ =	swait.ge [sflag:s14], $0x3200  }
0x19: {  	p1 =	seq.s32 s21, $0x0;
	[sflag:s14] =	ssyncset.done $0x0  }
0x1a: {  	s22 =	simm.s32 @!p1 $0x3;
	[sflag:s14] =	ssyncadd.s32 $0xFFFFCE00  }
0x1b: {  	_ =	swait.ge @!p1 [sflag:s22], $0x3200  }
0x1c: {  	[sflag:s22] =	ssyncset.done @!p1 $0x0  }
0x1d: {  	s23 =	simm.s32 $0x9680;
	[sflag:s22] =	ssyncadd.s32 @!p1 $0xFFFFCE00  }
0x1e: {  	v0 =	vld [tilespmem:s23+$0xFFFFFF80]  }
0x1f: {  	s24 =	simm.s32 $0x6480  }
0x20: {  	v1 =	vld [tilespmem:s24+$0xFFFFFF80];
	_ =	sdelay $0x2  }
0x21: {  	v0 =	vmul.f32 $8.000000000e+00, v0;
	_ =	sdelay $0x1  }
0x22: {  	v0 =	vadd.f32 v1, v0  }
0x23: {  	s25 =	simm.s32 $0xFA80  }
0x24: {  	[tilespmem:s25+$0xFFFFFF80] =	vst v0  }
0x25: {  	v0 =	vld [tilespmem:s23+$0xFFFFFF90];
	_ =	sdelay $0x1  }
0x26: {  	v1 =	vld [tilespmem:s24+$0xFFFFFF90];
	_ =	sdelay $0x2  }
0x27: {  	v0 =	vmul.f32 $8.000000000e+00, v0;
	_ =	sdelay $0x1  }
0x28: {  	v0 =	vadd.f32 v1, v0;
	_ =	sdelay $0x1  }
0x29: {  	[tilespmem:s25+$0xFFFFFF90] =	vst v0  }
0x2a: {  	v0 =	vld [tilespmem:s23+$0xFFFFFFA0];
	_ =	sdelay $0x1  }
0x2b: {  	v1 =	vld [tilespmem:s24+$0xFFFFFFA0];
	_ =	sdelay $0x2  }
0x2c: {  	v0 =	vmul.f32 $8.000000000e+00, v0;
	_ =	sdelay $0x1  }
0x2d: {  	v0 =	vadd.f32 v1, v0;
	_ =	sdelay $0x1  }
0x2e: {  	[tilespmem:s25+$0xFFFFFFA0] =	vst v0  }
0x2f: {  	v0 =	vld [tilespmem:s23+$0xFFFFFFB0];
	_ =	sdelay $0x1  }
0x30: {  	v1 =	vld [tilespmem:s24+$0xFFFFFFB0];
	_ =	sdelay $0x2  }
0x31: {  	v0 =	vmul.f32 $8.000000000e+00, v0;
	_ =	sdelay $0x1  }
0x32: {  	v0 =	vadd.f32 v1, v0;
	_ =	sdelay $0x1  }
0x33: {  	[tilespmem:s25+$0xFFFFFFB0] =	vst v0  }
0x34: {  	v0 =	vld [tilespmem:s23+$0xFFFFFFC0];
	_ =	sdelay $0x1  }
0x35: {  	v1 =	vld [tilespmem:s24+$0xFFFFFFC0];
	_ =	sdelay $0x2  }
0x36: {  	v0 =	vmul.f32 $8.000000000e+00, v0;
	_ =	sdelay $0x1  }
0x37: {  	v0 =	vadd.f32 v1, v0;
	_ =	sdelay $0x1  }
0x38: {  	[tilespmem:s25+$0xFFFFFFC0] =	vst v0  }
0x39: {  	v0 =	vld [tilespmem:s23+$0xFFFFFFD0];
	_ =	sdelay $0x1  }
0x3a: {  	v1 =	vld [tilespmem:s24+$0xFFFFFFD0];
	_ =	sdelay $0x2  }
0x3b: {  	v0 =	vmul.f32 $8.000000000e+00, v0;
	_ =	sdelay $0x1  }
0x3c: {  	v0 =	vadd.f32 v1, v0;
	_ =	sdelay $0x1  }
0x3d: {  	[tilespmem:s25+$0xFFFFFFD0] =	vst v0  }
0x3e: {  	v0 =	vld [tilespmem:s23+$0xFFFFFFE0];
	_ =	sdelay $0x1  }
0x3f: {  	v1 =	vld [tilespmem:s24+$0xFFFFFFE0];
	_ =	sdelay $0x2  }
0x40: {  	v0 =	vmul.f32 $8.000000000e+00, v0;
	_ =	sdelay $0x1  }
0x41: {  	v0 =	vadd.f32 v1, v0;
	_ =	sdelay $0x1  }
0x42: {  	[tilespmem:s25+$0xFFFFFFE0] =	vst v0  }
0x43: {  	v0 =	vld [tilespmem:s23+$0xFFFFFFF0];
	_ =	sdelay $0x1  }
0x44: {  	v1 =	vld [tilespmem:s24+$0xFFFFFFF0];
	_ =	sdelay $0x2  }
0x45: {  	v0 =	vmul.f32 $8.000000000e+00, v0;
	_ =	sdelay $0x1  }
0x46: {  	v0 =	vadd.f32 v1, v0;
	_ =	sdelay $0x1  }
0x47: {  	[tilespmem:s25+$0xFFFFFFF0] =	vst v0  }
0x48: {  	v0 =	vld [tilespmem:s23+$0x0];
	_ =	sdelay $0x1  }
0x49: {  	v1 =	vld [tilespmem:s24+$0x0];
	_ =	sdelay $0x2  }
0x4a: {  	v0 =	vmul.f32 $8.000000000e+00, v0;
	_ =	sdelay $0x1  }
0x4b: {  	v0 =	vadd.f32 v1, v0;
	_ =	sdelay $0x1  }
0x4c: {  	[tilespmem:s25+$0x0] =	vst v0  }
0x4d: {  	v0 =	vld [tilespmem:s23+$0x10];
	_ =	sdelay $0x1  }
0x4e: {  	v1 =	vld [tilespmem:s24+$0x10];
	_ =	sdelay $0x2  }
0x4f: {  	v0 =	vmul.f32 $8.000000000e+00, v0;
	_ =	sdelay $0x1  }
0x50: {  	v0 =	vadd.f32 v1, v0;
	_ =	sdelay $0x1  }
0x51: {  	[tilespmem:s25+$0x10] =	vst v0  }
0x52: {  	v0 =	vld [tilespmem:s23+$0x20];
	_ =	sdelay $0x1  }
0x53: {  	v1 =	vld [tilespmem:s24+$0x20];
	_ =	sdelay $0x2  }
0x54: {  	v0 =	vmul.f32 $8.000000000e+00, v0;
	_ =	sdelay $0x1  }
0x55: {  	v0 =	vadd.f32 v1, v0;
	_ =	sdelay $0x1  }
0x56: {  	[tilespmem:s25+$0x20] =	vst v0  }
0x57: {  	v0 =	vld [tilespmem:s23+$0x30];
	_ =	sdelay $0x1  }
0x58: {  	v1 =	vld [tilespmem:s24+$0x30];
	_ =	sdelay $0x2  }
0x59: {  	v0 =	vmul.f32 $8.000000000e+00, v0;
	_ =	sdelay $0x1  }
0x5a: {  	v0 =	vadd.f32 v1, v0;
	_ =	sdelay $0x1  }
0x5b: {  	[tilespmem:s25+$0x30] =	vst v0  }
0x5c: {  	v0 =	vld [tilespmem:s23+$0x40];
	_ =	sdelay $0x1  }
0x5d: {  	v1 =	vld [tilespmem:s24+$0x40];
	_ =	sdelay $0x2  }
0x5e: {  	v0 =	vmul.f32 $8.000000000e+00, v0;
	_ =	sdelay $0x1  }
0x5f: {  	v0 =	vadd.f32 v1, v0;
	_ =	sdelay $0x1  }
0x60: {  	[tilespmem:s25+$0x40] =	vst v0  }
0x61: {  	v0 =	vld [tilespmem:s23+$0x50];
	_ =	sdelay $0x1  }
0x62: {  	v1 =	vld [tilespmem:s24+$0x50];
	_ =	sdelay $0x2  }
0x63: {  	v0 =	vmul.f32 $8.000000000e+00, v0;
	_ =	sdelay $0x1  }
0x64: {  	v0 =	vadd.f32 v1, v0;
	_ =	sdelay $0x1  }
0x65: {  	[tilespmem:s25+$0x50] =	vst v0  }
0x66: {  	v0 =	vld [tilespmem:s23+$0x60];
	_ =	sdelay $0x1  }
0x67: {  	v1 =	vld [tilespmem:s24+$0x60];
	_ =	sdelay $0x2  }
0x68: {  	v0 =	vmul.f32 $8.000000000e+00, v0;
	_ =	sdelay $0x1  }
0x69: {  	v0 =	vadd.f32 v1, v0;
	_ =	sdelay $0x1  }
0x6a: {  	[tilespmem:s25+$0x60] =	vst v0  }
0x6b: {  	v0 =	vld [tilespmem:s23+$0x70];
	_ =	sdelay $0x1  }
0x6c: {  	v1 =	vld [tilespmem:s24+$0x70];
	_ =	sdelay $0x2  }
0x6d: {  	v0 =	vmul.f32 $8.000000000e+00, v0;
	_ =	sdelay $0x1  }
0x6e: {  	v0 =	vadd.f32 v1, v0  }
0x6f: {  	s26 =	simm.s32 $0x0;
	s28 =	simm.s32 $0xFB80;
	s22 =	sshll.u32 s21, $0x1  }
.LBB2_3:
0x70: {  	s26 =	sadd.s32 $0x4, s26;
	[tilespmem:s25+$0x70] =	vst v0;
	s23 =	sadd.s32 $0x100, s23;
	s24 =	sadd.s32 $0x100, s24  }
0x71: {  	s25 =	smov.u32 s28;
	v0 =	vld [tilespmem:s23+$0xFFFFFF80];
	p0 =	slt.u32 s26, $0xC4;
	_ =	sdelay $0x1  }
0x72: {  	v1 =	vld [tilespmem:s24+$0xFFFFFF80];
	_ =	sdelay $0x2  }
0x73: {  	v0 =	vmul.f32 $8.000000000e+00, v0;
	_ =	sdelay $0x1  }
0x74: {  	v0 =	vadd.f32 v1, v0;
	_ =	sdelay $0x1  }
0x75: {  	[tilespmem:s28+$0xFFFFFF80] =	vst v0  }
0x76: {  	v0 =	vld [tilespmem:s23+$0xFFFFFF90];
	_ =	sdelay $0x1  }
0x77: {  	v1 =	vld [tilespmem:s24+$0xFFFFFF90];
	_ =	sdelay $0x2  }
0x78: {  	v0 =	vmul.f32 $8.000000000e+00, v0;
	_ =	sdelay $0x1  }
0x79: {  	v0 =	vadd.f32 v1, v0;
	_ =	sdelay $0x1  }
0x7a: {  	[tilespmem:s28+$0xFFFFFF90] =	vst v0  }
0x7b: {  	v0 =	vld [tilespmem:s23+$0xFFFFFFA0];
	_ =	sdelay $0x1  }
0x7c: {  	v1 =	vld [tilespmem:s24+$0xFFFFFFA0];
	_ =	sdelay $0x2  }
0x7d: {  	v0 =	vmul.f32 $8.000000000e+00, v0;
	_ =	sdelay $0x1  }
0x7e: {  	v0 =	vadd.f32 v1, v0;
	_ =	sdelay $0x1  }
0x7f: {  	[tilespmem:s28+$0xFFFFFFA0] =	vst v0  }
0x80: {  	v0 =	vld [tilespmem:s23+$0xFFFFFFB0];
	_ =	sdelay $0x1  }
0x81: {  	v1 =	vld [tilespmem:s24+$0xFFFFFFB0];
	_ =	sdelay $0x2  }
0x82: {  	v0 =	vmul.f32 $8.000000000e+00, v0;
	_ =	sdelay $0x1  }
0x83: {  	v0 =	vadd.f32 v1, v0;
	_ =	sdelay $0x1  }
0x84: {  	[tilespmem:s28+$0xFFFFFFB0] =	vst v0  }
0x85: {  	v0 =	vld [tilespmem:s23+$0xFFFFFFC0];
	_ =	sdelay $0x1  }
0x86: {  	v1 =	vld [tilespmem:s24+$0xFFFFFFC0];
	_ =	sdelay $0x2  }
0x87: {  	v0 =	vmul.f32 $8.000000000e+00, v0;
	_ =	sdelay $0x1  }
0x88: {  	v0 =	vadd.f32 v1, v0;
	_ =	sdelay $0x1  }
0x89: {  	[tilespmem:s28+$0xFFFFFFC0] =	vst v0  }
0x8a: {  	v0 =	vld [tilespmem:s23+$0xFFFFFFD0];
	_ =	sdelay $0x1  }
0x8b: {  	v1 =	vld [tilespmem:s24+$0xFFFFFFD0];
	_ =	sdelay $0x2  }
0x8c: {  	v0 =	vmul.f32 $8.000000000e+00, v0;
	_ =	sdelay $0x1  }
0x8d: {  	v0 =	vadd.f32 v1, v0;
	_ =	sdelay $0x1  }
0x8e: {  	[tilespmem:s28+$0xFFFFFFD0] =	vst v0  }
0x8f: {  	v0 =	vld [tilespmem:s23+$0xFFFFFFE0];
	_ =	sdelay $0x1  }
0x90: {  	v1 =	vld [tilespmem:s24+$0xFFFFFFE0];
	_ =	sdelay $0x2  }
0x91: {  	v0 =	vmul.f32 $8.000000000e+00, v0;
	_ =	sdelay $0x1  }
0x92: {  	v0 =	vadd.f32 v1, v0;
	_ =	sdelay $0x1  }
0x93: {  	[tilespmem:s28+$0xFFFFFFE0] =	vst v0  }
0x94: {  	v0 =	vld [tilespmem:s23+$0xFFFFFFF0];
	_ =	sdelay $0x1  }
0x95: {  	v1 =	vld [tilespmem:s24+$0xFFFFFFF0];
	_ =	sdelay $0x2  }
0x96: {  	v0 =	vmul.f32 $8.000000000e+00, v0;
	_ =	sdelay $0x1  }
0x97: {  	v0 =	vadd.f32 v1, v0;
	_ =	sdelay $0x1  }
0x98: {  	[tilespmem:s28+$0xFFFFFFF0] =	vst v0  }
0x99: {  	v0 =	vld [tilespmem:s23+$0x0];
	_ =	sdelay $0x1  }
0x9a: {  	v1 =	vld [tilespmem:s24+$0x0];
	_ =	sdelay $0x2  }
0x9b: {  	v0 =	vmul.f32 $8.000000000e+00, v0;
	_ =	sdelay $0x1  }
0x9c: {  	v0 =	vadd.f32 v1, v0;
	_ =	sdelay $0x1  }
0x9d: {  	[tilespmem:s28+$0x0] =	vst v0  }
0x9e: {  	v0 =	vld [tilespmem:s23+$0x10]  }
0x9f: {  	v1 =	vld [tilespmem:s24+$0x10];
	_ =	sdelay $0x3  }
0xa0: {  	v0 =	vmul.f32 $8.000000000e+00, v0;
	_ =	sdelay $0x1  }
0xa1: {  	v0 =	vadd.f32 v1, v0;
	_ =	sdelay $0x1  }
0xa2: {  	[tilespmem:s28+$0x10] =	vst v0  }
0xa3: {  	v0 =	vld [tilespmem:s23+$0x20]  }
0xa4: {  	v1 =	vld [tilespmem:s24+$0x20];
	_ =	sdelay $0x3  }
0xa5: {  	v0 =	vmul.f32 $8.000000000e+00, v0;
	_ =	sdelay $0x1  }
0xa6: {  	v0 =	vadd.f32 v1, v0;
	_ =	sdelay $0x1  }
0xa7: {  	[tilespmem:s28+$0x20] =	vst v0  }
0xa8: {  	v0 =	vld [tilespmem:s23+$0x30]  }
0xa9: {  	v1 =	vld [tilespmem:s24+$0x30];
	_ =	sdelay $0x3  }
0xaa: {  	v0 =	vmul.f32 $8.000000000e+00, v0;
	_ =	sdelay $0x1  }
0xab: {  	v0 =	vadd.f32 v1, v0;
	_ =	sdelay $0x1  }
0xac: {  	[tilespmem:s28+$0x30] =	vst v0  }
0xad: {  	v0 =	vld [tilespmem:s23+$0x40]  }
0xae: {  	v1 =	vld [tilespmem:s24+$0x40];
	_ =	sdelay $0x3  }
0xaf: {  	v0 =	vmul.f32 $8.000000000e+00, v0;
	_ =	sdelay $0x1  }
0xb0: {  	v0 =	vadd.f32 v1, v0;
	_ =	sdelay $0x1  }
0xb1: {  	[tilespmem:s28+$0x40] =	vst v0  }
0xb2: {  	v0 =	vld [tilespmem:s23+$0x50]  }
0xb3: {  	v1 =	vld [tilespmem:s24+$0x50];
	_ =	sdelay $0x3  }
0xb4: {  	v0 =	vmul.f32 $8.000000000e+00, v0;
	_ =	sdelay $0x1  }
0xb5: {  	v0 =	vadd.f32 v1, v0;
	_ =	sdelay $0x1  }
0xb6: {  	[tilespmem:s28+$0x50] =	vst v0  }
0xb7: {  	v0 =	vld [tilespmem:s23+$0x60]  }
0xb8: {  	v1 =	vld [tilespmem:s24+$0x60];
	_ =	sdelay $0x3  }
0xb9: {  	v0 =	vmul.f32 $8.000000000e+00, v0;
	_ =	sdelay $0x1  }
0xba: {  	v0 =	vadd.f32 v1, v0;
	_ =	sdelay $0x1  }
0xbb: {  	[tilespmem:s28+$0x60] =	vst v0  }
0xbc: {  	v0 =	vld [tilespmem:s23+$0x70]  }
0xbd: {  	v1 =	vld [tilespmem:s24+$0x70];
	_ =	sdelay $0x2  }
.Ltmp0:
0xbe: {  	(pc) =	sbr.rel @p0 .LBB2_3-.Ltmp0, $3  }
0xbf: {  	v0 =	vmul.f32 $8.000000000e+00, v0;
	_ =	sdelay $0x1  }
0xc0: {  	v0 =	vadd.f32 v1, v0  }
0xc1: {  	s28 =	sadd.s32 $0x100, s28  }
0xc2: {  	p0 =	seq.s32 s21, $0x3F  }
0xc3: {  	s23 =	smul.u32 @!p0 $0x640, s21;
	_ =	sdelay $0x1  }
0xc4: {  	s26 =	sadd.s32 s6, s22;
	[tilespmem:s25+$0x70] =	vst v0;
	s25 =	simm.s32 @!p0 $0xC8;
	s23 =	sshra.s32 @!p0 s23, $0x2  }
0xc5: {  	s28 =	simm.s32 @!p0 $0x9600;
	s26 =	smul.u32 $0x640, s26;
	s24 =	sadd.s32 @!p0 $0x190, s23  }
0xc6: {  	[tilespmem:s28], [sflag:$0x1] =	stream.indirect.gather @!p0 [hbm4b:s4+s25], $0x40, s24, s25, $0xb8;
	[tilespmem:$0x15E00] =	vst v63  }
0xc7: {  	s31 =	sadd.s32 s2, s26  }
0xc8: {  	[hbm4b:s31+s3] =	stream.linear.scatter [tilespmem:s15], [sflag:$0x3], $0x3200, $0x38;
	[tilespmem:$0x15E00] =	vst v63  }
0xc9: {  	_ =	swait.ge [sflag:s16], $0x3200  }
0xca: {  	[sflag:s16] =	ssyncset.done $0x0  }
0xcb: {  	s24 =	simm.s32 @!p1 $0x4;
	[sflag:s16] =	ssyncadd.s32 $0xFFFFCE00  }
0xcc: {  	_ =	swait.ge @!p1 [sflag:s24], $0x3200  }
0xcd: {  	[sflag:s24] =	ssyncset.done @!p1 $0x0  }
0xce: {  	[sflag:s24] =	ssyncadd.s32 @!p1 $0xFFFFCE00;
	s24 =	simm.s32 $0xC880  }
0xcf: {  	v0 =	vld [tilespmem:s24+$0xFFFFFF80]  }
0xd0: {  	s25 =	simm.s32 $0x6480  }
0xd1: {  	v1 =	vld [tilespmem:s25+$0xFFFFFF80];
	_ =	sdelay $0x2  }
0xd2: {  	v0 =	vmul.f32 $8.000000000e+00, v0;
	_ =	sdelay $0x1  }
0xd3: {  	v0 =	vadd.f32 v1, v0  }
0xd4: {  	s26 =	simm.s32 $0x12C80  }
0xd5: {  	[tilespmem:s26+$0xFFFFFF80] =	vst v0  }
0xd6: {  	v0 =	vld [tilespmem:s24+$0xFFFFFF90];
	_ =	sdelay $0x1  }
0xd7: {  	v1 =	vld [tilespmem:s25+$0xFFFFFF90];
	_ =	sdelay $0x2  }
0xd8: {  	v0 =	vmul.f32 $8.000000000e+00, v0;
	_ =	sdelay $0x1  }
0xd9: {  	v0 =	vadd.f32 v1, v0;
	_ =	sdelay $0x1  }
0xda: {  	[tilespmem:s26+$0xFFFFFF90] =	vst v0  }
0xdb: {  	v0 =	vld [tilespmem:s24+$0xFFFFFFA0];
	_ =	sdelay $0x1  }
0xdc: {  	v1 =	vld [tilespmem:s25+$0xFFFFFFA0];
	_ =	sdelay $0x2  }
0xdd: {  	v0 =	vmul.f32 $8.000000000e+00, v0;
	_ =	sdelay $0x1  }
0xde: {  	v0 =	vadd.f32 v1, v0;
	_ =	sdelay $0x1  }
0xdf: {  	[tilespmem:s26+$0xFFFFFFA0] =	vst v0  }
0xe0: {  	v0 =	vld [tilespmem:s24+$0xFFFFFFB0];
	_ =	sdelay $0x1  }
0xe1: {  	v1 =	vld [tilespmem:s25+$0xFFFFFFB0];
	_ =	sdelay $0x2  }
0xe2: {  	v0 =	vmul.f32 $8.000000000e+00, v0;
	_ =	sdelay $0x1  }
0xe3: {  	v0 =	vadd.f32 v1, v0;
	_ =	sdelay $0x1  }
0xe4: {  	[tilespmem:s26+$0xFFFFFFB0] =	vst v0  }
0xe5: {  	v0 =	vld [tilespmem:s24+$0xFFFFFFC0];
	_ =	sdelay $0x1  }
0xe6: {  	v1 =	vld [tilespmem:s25+$0xFFFFFFC0];
	_ =	sdelay $0x2  }
0xe7: {  	v0 =	vmul.f32 $8.000000000e+00, v0;
	_ =	sdelay $0x1  }
0xe8: {  	v0 =	vadd.f32 v1, v0;
	_ =	sdelay $0x1  }
0xe9: {  	[tilespmem:s26+$0xFFFFFFC0] =	vst v0  }
0xea: {  	v0 =	vld [tilespmem:s24+$0xFFFFFFD0];
	_ =	sdelay $0x1  }
0xeb: {  	v1 =	vld [tilespmem:s25+$0xFFFFFFD0];
	_ =	sdelay $0x2  }
0xec: {  	v0 =	vmul.f32 $8.000000000e+00, v0;
	_ =	sdelay $0x1  }
0xed: {  	v0 =	vadd.f32 v1, v0;
	_ =	sdelay $0x1  }
0xee: {  	[tilespmem:s26+$0xFFFFFFD0] =	vst v0  }
0xef: {  	v0 =	vld [tilespmem:s24+$0xFFFFFFE0];
	_ =	sdelay $0x1  }
0xf0: {  	v1 =	vld [tilespmem:s25+$0xFFFFFFE0];
	_ =	sdelay $0x2  }
0xf1: {  	v0 =	vmul.f32 $8.000000000e+00, v0;
	_ =	sdelay $0x1  }
0xf2: {  	v0 =	vadd.f32 v1, v0;
	_ =	sdelay $0x1  }
0xf3: {  	[tilespmem:s26+$0xFFFFFFE0] =	vst v0  }
0xf4: {  	v0 =	vld [tilespmem:s24+$0xFFFFFFF0];
	_ =	sdelay $0x1  }
0xf5: {  	v1 =	vld [tilespmem:s25+$0xFFFFFFF0];
	_ =	sdelay $0x2  }
0xf6: {  	v0 =	vmul.f32 $8.000000000e+00, v0;
	_ =	sdelay $0x1  }
0xf7: {  	v0 =	vadd.f32 v1, v0;
	_ =	sdelay $0x1  }
0xf8: {  	[tilespmem:s26+$0xFFFFFFF0] =	vst v0  }
0xf9: {  	v0 =	vld [tilespmem:s24+$0x0];
	_ =	sdelay $0x1  }
0xfa: {  	v1 =	vld [tilespmem:s25+$0x0];
	_ =	sdelay $0x2  }
0xfb: {  	v0 =	vmul.f32 $8.000000000e+00, v0;
	_ =	sdelay $0x1  }
0xfc: {  	v0 =	vadd.f32 v1, v0;
	_ =	sdelay $0x1  }
0xfd: {  	[tilespmem:s26+$0x0] =	vst v0  }
0xfe: {  	v0 =	vld [tilespmem:s24+$0x10];
	_ =	sdelay $0x1  }
0xff: {  	v1 =	vld [tilespmem:s25+$0x10];
	_ =	sdelay $0x2  }
0x100: {  	v0 =	vmul.f32 $8.000000000e+00, v0;
	_ =	sdelay $0x1  }
0x101: {  	v0 =	vadd.f32 v1, v0;
	_ =	sdelay $0x1  }
0x102: {  	[tilespmem:s26+$0x10] =	vst v0  }
0x103: {  	v0 =	vld [tilespmem:s24+$0x20];
	_ =	sdelay $0x1  }
0x104: {  	v1 =	vld [tilespmem:s25+$0x20];
	_ =	sdelay $0x2  }
0x105: {  	v0 =	vmul.f32 $8.000000000e+00, v0;
	_ =	sdelay $0x1  }
0x106: {  	v0 =	vadd.f32 v1, v0;
	_ =	sdelay $0x1  }
0x107: {  	[tilespmem:s26+$0x20] =	vst v0  }
0x108: {  	v0 =	vld [tilespmem:s24+$0x30];
	_ =	sdelay $0x1  }
0x109: {  	v1 =	vld [tilespmem:s25+$0x30];
	_ =	sdelay $0x2  }
0x10a: {  	v0 =	vmul.f32 $8.000000000e+00, v0;
	_ =	sdelay $0x1  }
0x10b: {  	v0 =	vadd.f32 v1, v0;
	_ =	sdelay $0x1  }
0x10c: {  	[tilespmem:s26+$0x30] =	vst v0  }
0x10d: {  	v0 =	vld [tilespmem:s24+$0x40];
	_ =	sdelay $0x1  }
0x10e: {  	v1 =	vld [tilespmem:s25+$0x40];
	_ =	sdelay $0x2  }
0x10f: {  	v0 =	vmul.f32 $8.000000000e+00, v0;
	_ =	sdelay $0x1  }
0x110: {  	v0 =	vadd.f32 v1, v0;
	_ =	sdelay $0x1  }
0x111: {  	[tilespmem:s26+$0x40] =	vst v0  }
0x112: {  	v0 =	vld [tilespmem:s24+$0x50];
	_ =	sdelay $0x1  }
0x113: {  	v1 =	vld [tilespmem:s25+$0x50];
	_ =	sdelay $0x2  }
0x114: {  	v0 =	vmul.f32 $8.000000000e+00, v0;
	_ =	sdelay $0x1  }
0x115: {  	v0 =	vadd.f32 v1, v0;
	_ =	sdelay $0x1  }
0x116: {  	[tilespmem:s26+$0x50] =	vst v0  }
0x117: {  	v0 =	vld [tilespmem:s24+$0x60];
	_ =	sdelay $0x1  }
0x118: {  	v1 =	vld [tilespmem:s25+$0x60];
	_ =	sdelay $0x2  }
0x119: {  	v0 =	vmul.f32 $8.000000000e+00, v0;
	_ =	sdelay $0x1  }
0x11a: {  	v0 =	vadd.f32 v1, v0;
	_ =	sdelay $0x1  }
0x11b: {  	[tilespmem:s26+$0x60] =	vst v0  }
0x11c: {  	v0 =	vld [tilespmem:s24+$0x70];
	_ =	sdelay $0x1  }
0x11d: {  	v1 =	vld [tilespmem:s25+$0x70];
	_ =	sdelay $0x2  }
0x11e: {  	v0 =	vmul.f32 $8.000000000e+00, v0;
	_ =	sdelay $0x1  }
0x11f: {  	v0 =	vadd.f32 v1, v0  }
0x120: {  	s22 =	sor.u32 $0x1, s22;
	s29 =	simm.s32 $0x12D80;
	s28 =	simm.s32 $0x0  }
.LBB2_5:
0x121: {  	s28 =	sadd.s32 $0x4, s28;
	[tilespmem:s26+$0x70] =	vst v0;
	s24 =	sadd.s32 $0x100, s24;
	s25 =	sadd.s32 $0x100, s25  }
0x122: {  	s26 =	smov.u32 s29;
	v0 =	vld [tilespmem:s24+$0xFFFFFF80];
	p1 =	slt.u32 s28, $0xC4;
	_ =	sdelay $0x1  }
0x123: {  	v1 =	vld [tilespmem:s25+$0xFFFFFF80];
	_ =	sdelay $0x2  }
0x124: {  	v0 =	vmul.f32 $8.000000000e+00, v0;
	_ =	sdelay $0x1  }
0x125: {  	v0 =	vadd.f32 v1, v0;
	_ =	sdelay $0x1  }
0x126: {  	[tilespmem:s29+$0xFFFFFF80] =	vst v0  }
0x127: {  	v0 =	vld [tilespmem:s24+$0xFFFFFF90];
	_ =	sdelay $0x1  }
0x128: {  	v1 =	vld [tilespmem:s25+$0xFFFFFF90];
	_ =	sdelay $0x2  }
0x129: {  	v0 =	vmul.f32 $8.000000000e+00, v0;
	_ =	sdelay $0x1  }
0x12a: {  	v0 =	vadd.f32 v1, v0;
	_ =	sdelay $0x1  }
0x12b: {  	[tilespmem:s29+$0xFFFFFF90] =	vst v0  }
0x12c: {  	v0 =	vld [tilespmem:s24+$0xFFFFFFA0];
	_ =	sdelay $0x1  }
0x12d: {  	v1 =	vld [tilespmem:s25+$0xFFFFFFA0];
	_ =	sdelay $0x2  }
0x12e: {  	v0 =	vmul.f32 $8.000000000e+00, v0;
	_ =	sdelay $0x1  }
0x12f: {  	v0 =	vadd.f32 v1, v0;
	_ =	sdelay $0x1  }
0x130: {  	[tilespmem:s29+$0xFFFFFFA0] =	vst v0  }
0x131: {  	v0 =	vld [tilespmem:s24+$0xFFFFFFB0];
	_ =	sdelay $0x1  }
0x132: {  	v1 =	vld [tilespmem:s25+$0xFFFFFFB0];
	_ =	sdelay $0x2  }
0x133: {  	v0 =	vmul.f32 $8.000000000e+00, v0;
	_ =	sdelay $0x1  }
0x134: {  	v0 =	vadd.f32 v1, v0;
	_ =	sdelay $0x1  }
0x135: {  	[tilespmem:s29+$0xFFFFFFB0] =	vst v0  }
0x136: {  	v0 =	vld [tilespmem:s24+$0xFFFFFFC0];
	_ =	sdelay $0x1  }
0x137: {  	v1 =	vld [tilespmem:s25+$0xFFFFFFC0];
	_ =	sdelay $0x2  }
0x138: {  	v0 =	vmul.f32 $8.000000000e+00, v0;
	_ =	sdelay $0x1  }
0x139: {  	v0 =	vadd.f32 v1, v0;
	_ =	sdelay $0x1  }
0x13a: {  	[tilespmem:s29+$0xFFFFFFC0] =	vst v0  }
0x13b: {  	v0 =	vld [tilespmem:s24+$0xFFFFFFD0];
	_ =	sdelay $0x1  }
0x13c: {  	v1 =	vld [tilespmem:s25+$0xFFFFFFD0];
	_ =	sdelay $0x2  }
0x13d: {  	v0 =	vmul.f32 $8.000000000e+00, v0;
	_ =	sdelay $0x1  }
0x13e: {  	v0 =	vadd.f32 v1, v0;
	_ =	sdelay $0x1  }
0x13f: {  	[tilespmem:s29+$0xFFFFFFD0] =	vst v0  }
0x140: {  	v0 =	vld [tilespmem:s24+$0xFFFFFFE0];
	_ =	sdelay $0x1  }
0x141: {  	v1 =	vld [tilespmem:s25+$0xFFFFFFE0];
	_ =	sdelay $0x2  }
0x142: {  	v0 =	vmul.f32 $8.000000000e+00, v0;
	_ =	sdelay $0x1  }
0x143: {  	v0 =	vadd.f32 v1, v0;
	_ =	sdelay $0x1  }
0x144: {  	[tilespmem:s29+$0xFFFFFFE0] =	vst v0  }
0x145: {  	v0 =	vld [tilespmem:s24+$0xFFFFFFF0];
	_ =	sdelay $0x1  }
0x146: {  	v1 =	vld [tilespmem:s25+$0xFFFFFFF0];
	_ =	sdelay $0x2  }
0x147: {  	v0 =	vmul.f32 $8.000000000e+00, v0;
	_ =	sdelay $0x1  }
0x148: {  	v0 =	vadd.f32 v1, v0;
	_ =	sdelay $0x1  }
0x149: {  	[tilespmem:s29+$0xFFFFFFF0] =	vst v0  }
0x14a: {  	v0 =	vld [tilespmem:s24+$0x0];
	_ =	sdelay $0x1  }
0x14b: {  	v1 =	vld [tilespmem:s25+$0x0];
	_ =	sdelay $0x2  }
0x14c: {  	v0 =	vmul.f32 $8.000000000e+00, v0;
	_ =	sdelay $0x1  }
0x14d: {  	v0 =	vadd.f32 v1, v0;
	_ =	sdelay $0x1  }
0x14e: {  	[tilespmem:s29+$0x0] =	vst v0  }
0x14f: {  	v0 =	vld [tilespmem:s24+$0x10]  }
0x150: {  	v1 =	vld [tilespmem:s25+$0x10];
	_ =	sdelay $0x3  }
0x151: {  	v0 =	vmul.f32 $8.000000000e+00, v0;
	_ =	sdelay $0x1  }
0x152: {  	v0 =	vadd.f32 v1, v0;
	_ =	sdelay $0x1  }
0x153: {  	[tilespmem:s29+$0x10] =	vst v0  }
0x154: {  	v0 =	vld [tilespmem:s24+$0x20]  }
0x155: {  	v1 =	vld [tilespmem:s25+$0x20];
	_ =	sdelay $0x3  }
0x156: {  	v0 =	vmul.f32 $8.000000000e+00, v0;
	_ =	sdelay $0x1  }
0x157: {  	v0 =	vadd.f32 v1, v0;
	_ =	sdelay $0x1  }
0x158: {  	[tilespmem:s29+$0x20] =	vst v0  }
0x159: {  	v0 =	vld [tilespmem:s24+$0x30]  }
0x15a: {  	v1 =	vld [tilespmem:s25+$0x30];
	_ =	sdelay $0x3  }
0x15b: {  	v0 =	vmul.f32 $8.000000000e+00, v0;
	_ =	sdelay $0x1  }
0x15c: {  	v0 =	vadd.f32 v1, v0;
	_ =	sdelay $0x1  }
0x15d: {  	[tilespmem:s29+$0x30] =	vst v0  }
0x15e: {  	v0 =	vld [tilespmem:s24+$0x40]  }
0x15f: {  	v1 =	vld [tilespmem:s25+$0x40];
	_ =	sdelay $0x3  }
0x160: {  	v0 =	vmul.f32 $8.000000000e+00, v0;
	_ =	sdelay $0x1  }
0x161: {  	v0 =	vadd.f32 v1, v0;
	_ =	sdelay $0x1  }
0x162: {  	[tilespmem:s29+$0x40] =	vst v0  }
0x163: {  	v0 =	vld [tilespmem:s24+$0x50]  }
0x164: {  	v1 =	vld [tilespmem:s25+$0x50];
	_ =	sdelay $0x3  }
0x165: {  	v0 =	vmul.f32 $8.000000000e+00, v0;
	_ =	sdelay $0x1  }
0x166: {  	v0 =	vadd.f32 v1, v0;
	_ =	sdelay $0x1  }
0x167: {  	[tilespmem:s29+$0x50] =	vst v0  }
0x168: {  	v0 =	vld [tilespmem:s24+$0x60]  }
0x169: {  	v1 =	vld [tilespmem:s25+$0x60];
	_ =	sdelay $0x3  }
0x16a: {  	v0 =	vmul.f32 $8.000000000e+00, v0;
	_ =	sdelay $0x1  }
0x16b: {  	v0 =	vadd.f32 v1, v0;
	_ =	sdelay $0x1  }
0x16c: {  	[tilespmem:s29+$0x60] =	vst v0  }
0x16d: {  	v0 =	vld [tilespmem:s24+$0x70]  }
0x16e: {  	v1 =	vld [tilespmem:s25+$0x70];
	_ =	sdelay $0x2  }
.Ltmp1:
0x16f: {  	(pc) =	sbr.rel @p1 .LBB2_5-.Ltmp1, $3  }
0x170: {  	v0 =	vmul.f32 $8.000000000e+00, v0;
	_ =	sdelay $0x1  }
0x171: {  	v0 =	vadd.f32 v1, v0  }
0x172: {  	s29 =	sadd.s32 $0x100, s29  }
0x173: {  	s23 =	sadd.s32 @!p0 $0x258, s23  }
0x174: {  	[tilespmem:s26+$0x70] =	vst v0;
	s24 =	simm.s32 @!p0 $0xC8;
	s25 =	simm.s32 @!p0 $0xC800;
	s21 =	sadd.s32 $0x1, s21  }
0x175: {  	[tilespmem:s25], [sflag:$0x2] =	stream.indirect.gather @!p0 [hbm4b:s4+s24], $0x40, s23, s24, $0xb8;
	[tilespmem:$0x15E00] =	vst v63  }
0x176: {  	p0 =	sne.s32 s21, $0x40  }
.Ltmp2:
0x177: {  	s22 =	sadd.s32 s6, s22;
	(pc) =	sbr.rel @p0 .LBB2_2-.Ltmp2, $3  }
0x178: {  	s22 =	smul.u32 $0x640, s22;
	_ =	sdelay $0x1  }
0x179: {  	s22 =	sadd.s32 s2, s22  }
0x17a: {  	[hbm4b:s22+s3] =	stream.linear.scatter [tilespmem:s17], [sflag:$0x4], $0x3200, $0x38;
	[tilespmem:$0x15E00] =	vst v63  }
0x17b: {  	s20 =	sadd.s32 $0x1, s20  }
0x17c: {  	_ =	swait.ge [sflag:s18], $0x3200;
	p0 =	sne.s32 s20, s8  }
.Ltmp3:
0x17d: {  	[sflag:s18] =	ssyncset.done $0x0;
	(pc) =	sbr.rel @p0 .LBB2_1-.Ltmp3, $4  }
0x17e: {  	[sflag:s18] =	ssyncadd.s32 $0xFFFFCE00  }
0x17f: {  	_ =	swait.ge [sflag:s19], $0x3200  }
0x180: {  	[sflag:s19] =	ssyncset.done $0x0  }
0x181: {  	[sflag:s19] =	ssyncadd.s32 $0xFFFFCE00  }
0x182: {  	_ =	sfence.sel $0x180000  }
0x183: {  	[bflag:$0x0] =	sbarrier.arrive $0xFFFF  }
0x184: {  	p0 =	sne.s32 s0, $0x0;
	_ =	strace $0x90000047  }
0x185: {  	s0 =	sadd.s32 @!p0 $0x100000, s1;
	[bflag:$0x2] =	sbarrier.arrive $0xFFFF  }
0x186: {  	[sflag:s0] =	ssyncadd.tile.s32 @!p0 $0x1;
	_ =	shalt  }
.Lfunc_end2:
_tile_overlayer_lowered:
.L_overlay_start_2:
0x187: {  	(tag) =	ssettag $0x2  }
0x188: {  	s0 =	rddreg [dreg:$0x0];
	s2 =	stileid.u32  }
0x189: {  	s1 =	rddreg [dreg:$0x1];
	p0 =	sne.s32 s2, $0x0  }
0x18a: {  	s3 =	rddreg [dreg:$0x2];
	[bflag:$0x3] =	sbarrier.arrive $0xFFFF;
	s2 =	simm.s32 @!p0 $0x1C05  }
0x18b: {  	[timem:s3], [sflag:s2] =	dma.local @!p0 [hbm:s0], s1  }
0x18c: {  	s0 =	simm.s32 @!p0 $0x5  }
0x18d: {  	_ =	swait.ge @!p0 [sflag:s0], s1  }
0x18e: {  	s1 =	ssub.s32 @!p0 $0x0, s1;
	[sflag:s0] =	ssyncset.done @!p0 $0x0  }
0x18f: {  	[sflag:s0] =	ssyncadd.s32 @!p0 s1  }
0x190: {  	[bflag:$0x3] =	sbarrier.arrive $0xFFFF  }
0x191: {  	_ =	shalt  }

// kernel: sparse-core-data-format-call.cloned.1.call-start
scs
called_computation_lowered:
.L_overlay_start_0:
0x0: {  	s2 =	sld [smem:$0x3FD9]  }
0x1: {  	s3 =	sld [smem:$0x3FFE];
	_ =	sdelay $0x1  }
0x2: {  	s1 =	srdreg.scid  }
0x3: {  	s0 =	sand.u32 $0x1, s1  }
0x4: {  	s18 =	sshll.u32 s0, $0xA;
	s2 =	sadd.s32 s3, s2  }
0x5: {  	s2 =	sadd.s32 s2, s18  }
0x6: {  	[smem:$0x3FC5] =	sst s2  }
0x7: {  	_ = 	snop  }
0x8: {  	s2 =	sld [smem:$0x3FD0];
	(tm) =	ssettm $0x1  }
0x9: {  	s19 =	sld [smem:$0x3FFB];
	_ =	sdelay $0x3  }
0xa: {  	_ =	strace s19  }
0xb: {  	s3 =	sld [smem:$0x3FFC];
	_ =	sdelay $0x3  }
0xc: {  	_ =	strace s3  }
0xd: {  	s3 =	sld [smem:$0x3FFD];
	_ =	sdelay $0x3  }
0xe: {  	_ =	strace s3  }
0xf: {  	_ =	strace $0x8FFFFFFF  }
0x10: {  	s20 =	sld [smem:$0x3FDB];
	_ =	sdelay $0x1  }
0x11: {  	s4 =	simm.s32 $_scs_section_size  }
0x12: {  	s5 =	simm.s32 $_size__tile_overlayer_lowered;
	s6 =	simm.s32 $_tile_overlayer_lowered  }
0x13: {  	s23 =	simm.s32 $0x1BFF;
	s22 =	sshll.u32 s6, $0x1;
	s3 =	sadd.s32 s4, s20  }
0x14: {  	s7 =	simm.s32 $0x0;
	s21 =	sshll.u32 s5, $0x1;
	s5 =	sadd.s32 s22, s3  }
0x15: {  	[timem:s7], [sflag:s23] =	dma.local [hbm:s5], s21  }
0x16: {  	_ =	swait.ge [sflag:s23], s21  }
0x17: {  	s4 =	ssub.s32 $0x0, s21;
	[sflag:s23] =	ssyncset.done $0x0  }
0x18: {  	[sflag:s23] =	ssyncadd.s32 s4;
	_ =	sdelay $0x1  }
0x19: {  	s24 =	simm.s32 $0x1B8B  }
0x1a: {  	_ =	swait.ge [sflag:s24], $0x1  }
0x1b: {  	[sflag:s24] =	ssyncset.done $0x0  }
0x1c: {  	s26 =	simm.s32 $0x1B8E;
	s25 =	sld [smem:$0x3FFE];
	[sflag:s24] =	ssyncadd.s32 $0xFFFFFFFF  }
0x1d: {  	s27 =	simm.s32 $execute0_lowered;
	[smem:$0x3FD2] =	sst s26  }
0x1e: {  	s5 =	sshll.u32 s27, $0x1;
	_ =	strace $0x80000049;
	[dreg:$0x1] =	wrdreg $0xFFFFFFFF  }
0x1f: {  	s28 =	simm.s32 $_size_execute0_lowered;
	s3 =	sadd.s32 s3, s5;
	[dreg:$0x0] =	wrdreg $0x0  }
0x20: {  	s5 =	sshll.u32 s28, $0x1;
	[dreg:$0x2] =	wrdreg s3  }
0x21: {  	[dreg:$0x3] =	wrdreg s5  }
0x22: {  	[dreg:$0x4] =	wrdreg $0xC0  }
0x23: {  	_ =	task [dreg:s7], $0x5FFFF  }
0x24: {  	[dreg:$0x1] =	wrdreg $0xFFFFFFFF  }
0x25: {  	[dreg:$0x0] =	wrdreg $0x60  }
0x26: {  	[dreg:$0x2] =	wrdreg s25  }
0x27: {  	[dreg:$0x3] =	wrdreg s2  }
0x28: {  	[dreg:$0x4] =	wrdreg $0x9  }
0x29: {  	_ =	task.clear_ibuf [dreg:s7], $0x5FFFF;
	_ =	strace $0x90000049  }
0x2a: {  	s29 =	simm.s32 $0x9;
	_ =	strace $0x8000004B  }
0x2b: {  	_ =	swait.ge [sflag:s29], $0x1  }
0x2c: {  	[sflag:s29] =	ssyncadd.s32 $0xFFFFFFFF  }
0x2d: {  	_ =	strace $0x9000004B  }
0x2e: {  	_ =	sfence  }
0x2f: {  	s30 =	sld [smem:$0x0];
	_ =	sdelay $0x2  }
0x30: {  	s31 =	sshll.u32 s1, $0xD;
	s1 =	sshrl.u32 s1, $0x2  }
0x31: {  	s3 =	sand.u32 $0x4000, s31;
	s1 =	sadd.s32 s1, s30  }
0x32: {  	s0 =	sor.u32 s3, s0;
	s1 =	sshll.u32 s1, $0x11  }
0x33: {  	s0 =	sor.u32 s1, s0  }
0x34: {  	s0 =	sadd.s32 $0x8F2B, s0  }
0x35: {  	[sflag:s0] =	ssyncadd.remote.s32 $0x1  }
0x36: {  	_ =	sfence.sel $0xFFFF  }
0x37: {  	[dreg:$0x0] =	wrdreg $0xFFFFFFFF;
	(pc) =	sbr.abs _section_cstart, $3  }
0x38: {  	[dreg:$0x1] =	wrdreg $0xFFFFFFFF  }
0x39: {  	_ =	task.clear_ibuf [dreg:s7], $0x2FFFF;
	_ =	strace $0x9FFFFFFF  }
0x3a: {  	(tm) =	ssettm $0x7FFFFFFF  }
0x3b: {  	_ =	shalt  }
tec
execute0_lowered:
.L_overlay_start_1:
0x0: {  	(tag) =	ssettag $0x1  }
0x1: {  	s0 =	srdreg.scid  }
0x2: {  	s1 =	sshll.u32 s0, $0x4  }
0x3: {  	s0 =	stileid.u32;
	s1 =	sand.u32 $0x10, s1  }
0x4: {  	s1 =	sor.u32 s0, s1  }
0x5: {  	s6 =	rddreg [dreg:$0x0];
	s4 =	simm.s32 $0x1;
	s2 =	sshll.u32 s1, $0x7  }
0x6: {  	s7 =	simm.s32 $0x2;
	s12 =	simm.s32 $0x0;
	s1 =	ssub.s32 $0x1000, s2  }
0x7: {  	s8 =	simm.s32 $0x8000;
	s13 =	simm.s32 $0x0;
	s3 =	sand.u32 $0xF80, s1  }
0x8: {  	s9 =	simm.s32 $0x0;
	s5 =	sshrl.u32 s1, $0xC;
	p0 =	sne.s32 s3, $0x0  }
.Ltmp0:
0x9: {  	s1 =	rddreg [dreg:$0x2];
	s4 =	simm.s32 @!p0 $0x0;
	(pc) =	sbr.rel .LBB1_1-.Ltmp0, $4  }
0xa: {  	s11 =	simm.s32 $0x0;
	s3 =	rddreg [dreg:$0x1];
	s5 =	sadd.s32 s4, s5  }
0xb: {  	_ =	strace $0x8000004A;
	s4 =	simm.s32 $0x1;
	s5 =	smul.u32 $0xC8, s5  }
0xc: {  	s6 =	sadd.s32 $0xC00, s6;
	s10 =	smov.u32 s2;
	[sflag:s4] =	ssyncpa.u1 $0x0  }
0xd: {  	p0 =	por $0x0, $0x0;
	[sflag:s7] =	ssyncpa.u1 $0x0;
	s7 =	sor.u32 $0x1, s5  }
.LBB1_4:
0xe: {  	s16 =	sshll.u32 s13, $0x3;
	s17 =	sand.u32 $0x78, s13  }
0xf: {  	s30 =	sand.u32 $0x7E00, s13;
	s12 =	sshll.u32 s12, $0xF;
	s16 =	sand.u32 $0xC00, s16  }
0x10: {  	[tilespmem:s15+$0x810 ss:$0x81] =	vst.msk $0xffff, v2;
	s31 =	sand.u32 $0x7, s13;
	s16 =	sor.u32 s17, s16;
	s17 =	sadd.s32 s3, s30  }
0x11: {  	[tilespmem:s15+$0x1020 ss:$0x81] =	vst.msk $0xffff, v0;
	s13 =	sshll.u32 s31, $0x12;
	s12 =	sadd.s32 s12, s17;
	s16 =	sshrl.u32 s16, $0x3  }
0x12: {  	[tilespmem:s15+$0x0 ss:$0x81] =	vst.msk $0xffff, v1;
	s13 =	sor.u32 $0x400, s13;
	s12 =	sadd.s32 s16, s12  }
0x13: {  	[hbm4b:s12+s13] =	stream.strided.scatter [tilespmem:s14], [sflag:$0x2], $0x2000, s8, s13, $0x20;
	[tilespmem:$0x8080] =	vst v63  }
.LBB1_5:
0x14: {  	s14 =	sadd.s32 $0x1, s9  }
0x15: {  	s12 =	sadd.s32 $0x1000, s10;
	s16 =	smov.u32 s10;
	p2 =	sgt.s32 s14, $0xC7  }
0x16: {  	s16 =	smov.u32 @p2 s12  }
0x17: {  	s14 =	simm.s32 @p2 $0x0;
	p2 =	sgt.s32 s16, $0xFFF  }
0x18: {  	s16 =	smov.u32 @p2 s2;
	p2 =	sne.s32 s11, s7  }
.Ltmp1:
0x19: {  	p1 =	slt.u32 s11, $0x2;
	(pc) =	sbr.rel @!p2 .LBB1_6-.Ltmp1, $4  }
0x1a: {  	s15 =	simm.s32 @!p1 $0x2  }
0x1b: {  	s13 =	smov.u32 s10;
	p0 =	por !p0, !p0;
	_ =	swait.ge @!p1 [sflag:s15], $0x2000  }
0x1c: {  	s12 =	smov.u32 s9;
	[sflag:s15] =	ssyncset.done @!p1 $0x0;
	s9 =	smov.u32 s14  }
0x1d: {  	s11 =	sadd.s32 $0x1, s11;
	[sflag:s15] =	ssyncadd.s32 @!p1 $0xFFFFE000;
	s10 =	smov.u32 s16  }
.LBB1_1:
0x1e: {  	p1 =	sge.u32 s11, s5  }
0x1f: {  	s14 =	sand.u32 @!p1 $0x1FFFFFF, s9  }
0x20: {  	s15 =	smulhi.u32 @!p1 $0x147AE15, s14;
	_ =	sdelay $0x1  }
0x21: {  	s15 =	smul.u32 @!p1 $0xC8, s15  }
0x22: {  	s16 =	sxor.u32 @!p1 $0xFFFFFFFF, s11;
	s17 =	smul.u32 @!p1 $0xC80, s10  }
0x23: {  	s31 =	sadd.s32 $0xFFFFFFFF, s11;
	s16 =	sshll.u32 @!p1 s16, $0xD;
	s14 =	ssub.s32 @!p1 s14, s15  }
0x24: {  	s15 =	sand.u32 @!p1 $0x2000, s16;
	s16 =	sadd.s32 @!p1 s6, s17;
	s14 =	sshll.u32 @!p1 s14, $0x4  }
0x25: {  	s17 =	simm.s32 @!p1 $0x6400;
	s14 =	sadd.s32 @!p1 s14, s16;
	s16 =	simm.s32 @!p1 $0x40  }
0x26: {  	[tilespmem:s15], [sflag:$0x1] =	stream.strided.gather @!p1 [hbm4b:s14+s16], $0x2000, s17, s16, $0x38;
	[tilespmem:$0x8080] =	vst v63  }
0x27: {  	p1 =	sge.u32 s31, s5  }
.Ltmp2:
0x28: {  	_ = 	snop;
	(pc) =	sbr.rel @p1 .LBB1_5-.Ltmp2, $1  }
0x29: {  	_ =	sdelay $0x3  }
0x2a: {  	s14 =	simm.s32 $0x1  }
0x2b: {  	_ =	swait.ge [sflag:s4], $0x2000;
	s14 =	simm.s32 @!p0 $0x0  }
0x2c: {  	[sflag:s4] =	ssyncset.done $0x0;
	s15 =	sshll.u32 s14, $0xD  }
0x2d: {  	[sflag:s4] =	ssyncadd.s32 $0xFFFFE000;
	s18 =	sor.u32 $0x20, s15  }
0x2e: {  	s14 =	smul.u32 $0x8100, s14;
	v3 =	vld [tilespmem:s18+$0x10]  }
0x2f: {  	s30 =	sand.u32 $0x1, s11;
	v2 =	vld [tilespmem:s18+$0xFFFFFFF0]  }
0x30: {  	s15 =	smul.u32 $0x8100, s30;
	s14 =	sshrl.u32 s14, $0x2;
	v0 =	vld [tilespmem:s18+$0x0]  }
0x31: {  	v1 =	vld [tilespmem:s18+$0xFFFFFFE0];
	s16 =	sor.u32 $0x4000, s14  }
0x32: {  	s31 =	sshrl.u32 s15, $0x2;
	s15 =	sadd.s32 $0x0, s16  }
0x33: {  	s17 =	simm.s32 $0x4;
	s18 =	sadd.s32 $0x40, s18;
	s14 =	sor.u32 $0x4000, s31;
	[tilespmem:s15+$0x1830 ss:$0x81] =	vst.msk $0xffff, v3  }
.LBB1_3:
0x34: {  	v3 =	vld [tilespmem:s18+$0x10];
	p1 =	sne.s32 s17, $0x1FC;
	[tilespmem:s15+$0x810 ss:$0x81] =	vst.msk $0xffff, v2;
	s19 =	smov.u32 s17;
	s17 =	sadd.s32 $0x4, s17  }
.Ltmp3:
0x35: {  	v2 =	vld [tilespmem:s18+$0xFFFFFFF0];
	[tilespmem:s15+$0x1020 ss:$0x81] =	vst.msk $0xffff, v0;
	(pc) =	sbr.rel @p1 .LBB1_3-.Ltmp3, $4  }
0x36: {  	v0 =	vld [tilespmem:s18+$0x0];
	[tilespmem:s15+$0x0 ss:$0x81] =	vst.msk $0xffff, v1  }
0x37: {  	s15 =	sshra.s32 s19, $0x2;
	v1 =	vld [tilespmem:s18+$0xFFFFFFE0]  }
0x38: {  	s15 =	sadd.s32 s15, s16  }
0x39: {  	s18 =	sadd.s32 $0x40, s18;
	[tilespmem:s15+$0x1830 ss:$0x81] =	vst.msk $0xffff, v3  }
.Ltmp4:
0x3a: {  	_ = 	snop;
	(pc) =	sbr.rel .LBB1_4-.Ltmp4, $1  }
0x3b: {  	_ =	sdelay $0x3  }
.LBB1_6:
0x3c: {  	_ =	sfence.sel $0x180000  }
0x3d: {  	s2 =	simm.s32 $0x1;
	[bflag:$0x0] =	sbarrier.arrive $0xFFFF  }
0x3e: {  	s31 =	simm.s32 $0x2;
	[sflag:s2] =	ssyncpa.u1 $0x1  }
0x3f: {  	[sflag:s31] =	ssyncpa.u1 $0x1  }
0x40: {  	p0 =	sne.s32 s0, $0x0;
	_ =	strace $0x9000004A  }
0x41: {  	s0 =	sadd.s32 @!p0 $0x100000, s1;
	[bflag:$0x2] =	sbarrier.arrive $0xFFFF  }
0x42: {  	[sflag:s0] =	ssyncadd.tile.s32 @!p0 $0x1;
	_ =	shalt  }
.Lfunc_end1:
_tile_overlayer_lowered:
.L_overlay_start_2:
0x43: {  	(tag) =	ssettag $0x2  }
0x44: {  	s0 =	rddreg [dreg:$0x0];
	s2 =	stileid.u32  }
0x45: {  	s1 =	rddreg [dreg:$0x1];
	p0 =	sne.s32 s2, $0x0  }
0x46: {  	s3 =	rddreg [dreg:$0x2];
	[bflag:$0x3] =	sbarrier.arrive $0xFFFF;
	s2 =	simm.s32 @!p0 $0x1C01  }
0x47: {  	[timem:s3], [sflag:s2] =	dma.local @!p0 [hbm:s0], s1  }
0x48: {  	s0 =	simm.s32 @!p0 $0x1  }
0x49: {  	_ =	swait.ge @!p0 [sflag:s0], s1  }
0x4a: {  	s1 =	ssub.s32 @!p0 $0x0, s1;
	[sflag:s0] =	ssyncset.done @!p0 $0x0  }
0x4b: {  	[sflag:s0] =	ssyncadd.s32 @!p0 s1  }
0x4c: {  	[bflag:$0x3] =	sbarrier.arrive $0xFFFF  }
0x4d: {  	_ =	shalt  }

</sc_bundles>
